<compile_context>
chip_gen: v7x
topology: tpu7x:2x2x1
jax: 0.10.2.dev20260603
libtpu: 0.0.44.dev20260713+nightly
codegen_flags: <defaults>
</compile_context>

<pallas_src>
import functools

import jax
import jax.numpy as jnp
import numpy as np
from jax import lax
from jax.experimental import pallas as pl
from jax.experimental.pallas import tpu as pltpu
from jax.experimental.pallas import tpu_sc as plsc

_NS = 16
_NV = 8
_DIN = _NS + 3 * _NV
_W0IN = _NS + _NV
_W0NUM = _W0IN * _NS
_W1NUM = _W0IN * _NV
_WNUM = _W0NUM + _W1NUM
_NNODES = 10000
_E = 160000

_MSG_W = 128
_NROWS = _NNODES + 112
_NW = 32
_CHUNK = 128
_NCHUNK = 40
_EPW = _CHUNK * _NCHUNK
_EP = _NW * _EPW
_TILE = 1024
_RPW = _NROWS // 16

_PERM = np.concatenate([
    np.arange(_NS),
    *[np.array([_NS + 3 * j + c for j in range(_NV)]) for c in range(3)],
]).astype(np.int32)
_PINV = np.zeros((_DIN, _DIN), np.float32)
for _j in range(_DIN):
    _PINV[_j, _PERM[_j]] = 1.0


def _expand_mat(n_in, n_out, scale_rows=None):
    r = np.zeros((n_in, n_in * n_out), np.float32)
    for i in range(n_in):
        s = 1.0 if scale_rows is None else scale_rows[i]
        r[i, i * n_out:(i + 1) * n_out] = s
    return r


def _sum_mat(n_in, n_out, scale):
    s = np.zeros((n_in * n_out, n_out), np.float32)
    for i in range(n_in):
        s[i * n_out:(i + 1) * n_out, :] = np.eye(n_out, dtype=np.float32) * scale
    return s


_R16 = _expand_mat(_W0IN, _NS, np.array([1.0] * _NS + [1.0 / np.sqrt(3.0)] * _NV))
_S16 = _sum_mat(_W0IN, _NS, 1.0 / np.sqrt(_W0IN))
_R8 = _expand_mat(_W0IN, _NV)
_S8 = _sum_mat(_W0IN, _NV, 1.0 / np.sqrt(_W0IN))


def _bdot(a, b):
    return jax.lax.dot(a.astype(jnp.bfloat16), b.astype(jnp.bfloat16),
                       preferred_element_type=jnp.float32)


def _edge_kernel(x_ref, ea_ref, sh_ref, w1_ref, b1_ref, w2_ref, b2_ref,
                 r16_ref, s16_ref, r8_ref, s8_ref, out_ref):
    ea = ea_ref[...]
    x = x_ref[:, :_DIN]
    sh = sh_ref[...]
    h = jnp.maximum(_bdot(ea, w1_ref[...]) + b1_ref[...], 0.0)
    tpw = _bdot(h, w2_ref[...]) + b2_ref[...]
    tpw0 = tpw[:, :_W0NUM]
    tpw1 = tpw[:, _W0NUM:]
    in0e = x[:, :_NS]
    v = [x[:, _NS + c * _NV:_NS + (c + 1) * _NV] for c in range(3)]
    sh0 = sh[:, 0:1]
    s123 = [sh[:, c + 1:c + 2] for c in range(3)]
    o0e = jnp.concatenate(
        [in0e * sh0, v[0] * s123[0] + v[1] * s123[1] + v[2] * s123[2]], axis=1)
    outs = [_bdot(_bdot(o0e, r16_ref[...]) * tpw0, s16_ref[...])]
    for c in range(3):
        o1o_c = jnp.concatenate([in0e * s123[c], v[c] * sh0], axis=1)
        outs.append(_bdot(_bdot(o1o_c, r8_ref[...]) * tpw1, s8_ref[...]))
    t = out_ref.shape[0]
    outs.append(jnp.ones((t, 1), jnp.float32))
    outs.append(jnp.zeros((t, _MSG_W - _DIN - 1), jnp.float32))
    out_ref[...] = jnp.concatenate(outs, axis=1)


def _edge_messages(x, edge_attr, edge_sh, W1, b1, W2, b2):
    grid = _EP // _TILE
    spec = lambda cols: pl.BlockSpec((_TILE, cols), lambda i: (i, 0))
    const = lambda shape: pl.BlockSpec(shape, lambda i: (0, 0))
    return pl.pallas_call(
        _edge_kernel,
        grid=(grid,),
        in_specs=[
            spec(128), spec(16), spec(4),
            const((16, 64)), const((1, 64)), const((64, _WNUM)),
            const((1, _WNUM)),
            const(_R16.shape), const(_S16.shape), const(_R8.shape),
            const(_S8.shape),
        ],
        out_specs=spec(_MSG_W),
        out_shape=jax.ShapeDtypeStruct((_EP, _MSG_W), jnp.float32),
        compiler_params=pltpu.CompilerParams(
            dimension_semantics=("parallel",)),
    )(x, edge_attr, edge_sh, W1, b1.reshape(1, -1), W2, b2.reshape(1, -1),
      jnp.asarray(_R16), jnp.asarray(_S16), jnp.asarray(_R8), jnp.asarray(_S8))


def _gather_rows(table, dst_idx3):
    mesh = plsc.VectorSubcoreMesh(core_axis_name="c", subcore_axis_name="s")

    @functools.partial(
        pl.kernel, mesh=mesh,
        out_type=jax.ShapeDtypeStruct((_EP, 128), jnp.float32),
        scratch_types=[
            pltpu.VMEM((_NCHUNK, _CHUNK), jnp.int32),
            pltpu.VMEM((_CHUNK, 128), jnp.float32),
            pltpu.VMEM((_CHUNK, 128), jnp.float32),
            pltpu.SemaphoreType.DMA,
            pltpu.SemaphoreType.DMA,
            pltpu.SemaphoreType.DMA,
            pltpu.SemaphoreType.DMA,
        ],
    )
    def k(table_hbm, idx_hbm, out_hbm, idx_v, ra, rb, sga, sgb, swa, swb):
        c = lax.axis_index("c")
        s = lax.axis_index("s")
        w = c * 16 + s
        pltpu.sync_copy(idx_hbm.at[w], idx_v)

        def gather(j, buf, sem):
            pltpu.async_copy(table_hbm.at[idx_v.at[j]], buf, sem)

        def write(j, buf, sem):
            base = w * _EPW + j * _CHUNK
            pltpu.async_copy(buf, out_hbm.at[pl.ds(base, _CHUNK)], sem)

        def wait(src, dst, sem):
            pltpu.make_async_copy(src, dst, sem).wait()

        gather(0, ra, sga)

        def body(i, carry):
            j = 2 * i
            wait(table_hbm.at[idx_v.at[j]], ra, sga)
            gather(j + 1, rb, sgb)

            @pl.when(i > 0)
            def _():
                wait(ra, out_hbm.at[pl.ds(0, _CHUNK)], swa)
            write(j, ra, swa)
            wait(table_hbm.at[idx_v.at[j + 1]], rb, sgb)

            @pl.when(i + 1 < _NCHUNK // 2)
            def _():
                gather(j + 2, ra, sga)

            @pl.when(i > 0)
            def _():
                wait(rb, out_hbm.at[pl.ds(0, _CHUNK)], swb)
            write(j + 1, rb, swb)
            return carry

        lax.fori_loop(0, _NCHUNK // 2, body, 0)
        wait(ra, out_hbm.at[pl.ds(0, _CHUNK)], swa)
        wait(rb, out_hbm.at[pl.ds(0, _CHUNK)], swb)

    return k(table, dst_idx3)


def _scatter_partials(msg, src_idx3, zero_rows):
    mesh = plsc.VectorSubcoreMesh(core_axis_name="c", subcore_axis_name="s")

    @functools.partial(
        pl.kernel, mesh=mesh,
        out_type=jax.ShapeDtypeStruct((2, _NROWS, _MSG_W), jnp.float32),
        scratch_types=[
            pltpu.VMEM_SHARED((_NROWS, _MSG_W), jnp.float32),
            pltpu.VMEM((_NCHUNK, _CHUNK), jnp.int32),
            pltpu.VMEM((_CHUNK, _MSG_W), jnp.float32),
        ],
    )
    def k(msg_hbm, idx_hbm, zero_hbm, out_hbm, acc, idx_v, msg_v):
        c = lax.axis_index("c")
        s = lax.axis_index("s")
        w = c * 16 + s
        roff = s * _RPW
        pltpu.sync_copy(zero_hbm.at[pl.ds(roff, _RPW)], acc.at[pl.ds(roff, _RPW)])
        pltpu.sync_copy(idx_hbm.at[w], idx_v)
        plsc.subcore_barrier()

        def body(j, carry):
            base = w * _EPW + j * _CHUNK
            pltpu.sync_copy(msg_hbm.at[pl.ds(base, _CHUNK)], msg_v)
            pltpu.sync_copy(msg_v, acc.at[idx_v.at[j]], add=True)
            return carry

        lax.fori_loop(0, _NCHUNK, body, 0)
        plsc.subcore_barrier()
        pltpu.sync_copy(acc.at[pl.ds(roff, _RPW)],
                        out_hbm.at[c, pl.ds(roff, _RPW)])

    return k(msg, src_idx3, zero_rows)


def _epilogue_kernel(p_ref, na_ref, pinv_ref, out_ref):
    p = p_ref[0] + p_ref[1]
    cnt = p[:, _DIN:_DIN + 1]
    vals = p[:, :_DIN]
    out_ref[...] = (vals / jnp.maximum(cnt, 1.0)) @ pinv_ref[...] + na_ref[...]


def _epilogue(partials, node_attr, pinv):
    rows = 1256
    return pl.pallas_call(
        _epilogue_kernel,
        grid=(pl.cdiv(_NNODES, rows),),
        in_specs=[
            pl.BlockSpec((2, rows, _MSG_W), lambda i: (0, i, 0)),
            pl.BlockSpec((rows, _DIN), lambda i: (i, 0)),
            pl.BlockSpec((_DIN, _DIN), lambda i: (0, 0)),
        ],
        out_specs=pl.BlockSpec((rows, _DIN), lambda i: (i, 0)),
        out_shape=jax.ShapeDtypeStruct((_NNODES, _DIN), jnp.float32),
        compiler_params=pltpu.CompilerParams(
            dimension_semantics=("parallel",)),
    )(partials, node_attr, pinv)


def kernel(node_attr, edge_index, edge_attr, edge_sh, W1, b1, W2, b2):
    edge_src = edge_index[0]
    edge_dst = edge_index[1]
    pad = _EP - _E
    node_p = jnp.pad(node_attr[:, _PERM], ((0, 0), (0, 128 - _DIN)))
    dst_pad = jnp.concatenate([edge_dst, jnp.zeros((pad,), jnp.int32)])
    src_pad = jnp.concatenate(
        [edge_src, jnp.full((pad,), _NNODES, jnp.int32)])
    ea_pad = jnp.pad(edge_attr, ((0, pad), (0, 0)))
    sh_pad = jnp.pad(edge_sh, ((0, pad), (0, 0)))
    x = _gather_rows(node_p, dst_pad.reshape(_NW, _NCHUNK, _CHUNK))
    msg = _edge_messages(x, ea_pad, sh_pad, W1, b1, W2, b2)
    partials = _scatter_partials(
        msg, src_pad.reshape(_NW, _NCHUNK, _CHUNK),
        jnp.zeros((_NROWS, _MSG_W), jnp.float32))
    return _epilogue(partials, node_attr, jnp.asarray(_PINV))

# --- scband reference (transcript-rebuilt; emitter-appended) ---
"""Pipeline reference for scband-tensor-product-conv-layer-76991583748169 (READ-ONLY COPY).

The authoritative reference and input builder live on the scoring server;
editing this copy changes nothing except your own understanding.
"""

import jax, jax.numpy as jnp
import numpy as np

N_NODES = 10000
E = 160000
NS = 16  # multiplicity of 0e
NV = 8   # multiplicity of 1o
D_IN = NS + 3 * NV  # 40
W0_IN = NS + NV     # 24 (inputs feeding 0e output path)
W1_IN = NS + NV     # 24 (inputs feeding 1o output path: 0e x 1o + 1o x 0e)
W0_NUMEL = W0_IN * NS  # 384
W1_NUMEL = W1_IN * NV  # 192
WEIGHT_NUMEL = W0_NUMEL + W1_NUMEL  # 576
N_EDGE_FEAT = 16
HIDDEN = 64


def faster_tp(x, sh, w):
    # FasterTensorProduct for in_irreps=16x0e+8x1o, sh=1x0e+1x1o, out=16x0e+8x1o
    in0e = x[:, :NS]                         # [E, 16]
    in1o = x[:, NS:].reshape(-1, NV, 3)      # [E, 8, 3]
    sh0 = sh[:, 0]                            # [E]
    sh1 = sh[:, 1:4]                          # [E, 3]
    # 0e outputs: 0e*0e and (1o . 1o)/sqrt(3)
    o0e = jnp.concatenate([
        in0e * sh0[:, None],
        (in1o * sh1[:, None, :]).sum(-1) / np.sqrt(3.0),
    ], axis=-1)                               # [E, 24]
    # 1o outputs: 0e x 1o and 1o * 0e
    o1o = jnp.concatenate([
        in0e[:, :, None] * sh1[:, None, :],   # [E, 16, 3]
        in1o * sh0[:, None, None],            # [E, 8, 3]
    ], axis=-2)                               # [E, 24, 3]
    w0 = w[:, :W0_NUMEL].reshape(-1, W0_IN, NS) / np.sqrt(W0_IN)
    w1 = w[:, W0_NUMEL:WEIGHT_NUMEL].reshape(-1, W1_IN, NV) / np.sqrt(W1_IN)
    out0 = jnp.einsum('ei,eio->eo', o0e, w0)                  # [E, 16]
    out1 = jnp.einsum('eic,eio->eoc', o1o, w1).reshape(-1, NV * 3)  # [E, 24]
    return jnp.concatenate([out0, out1], axis=-1)             # [E, 40]


def setup_inputs(seed: int = 0) -> dict:
    key = jax.random.key(seed)
    k1, k2, k3, k4, k5, k6 = jax.random.split(key, 6)
    node_attr = jax.random.normal(k1, (N_NODES, D_IN), dtype=jnp.float32)
    edge_index = jax.random.randint(k2, (2, E), 0, N_NODES, dtype=jnp.int32)
    edge_attr = jax.random.normal(k3, (E, N_EDGE_FEAT), dtype=jnp.float32)
    edge_sh = jax.random.normal(k4, (E, 4), dtype=jnp.float32)
    # fc: Linear(16,64) -> ReLU -> Linear(64, weight_numel)
    W1 = jax.random.normal(k5, (N_EDGE_FEAT, HIDDEN), dtype=jnp.float32) * (1.0 / np.sqrt(N_EDGE_FEAT))
    b1 = jnp.zeros((HIDDEN,), dtype=jnp.float32)
    W2 = jax.random.normal(k6, (HIDDEN, WEIGHT_NUMEL), dtype=jnp.float32) * (1.0 / np.sqrt(HIDDEN))
    b2 = jnp.zeros((WEIGHT_NUMEL,), dtype=jnp.float32)
    return {"node_attr": node_attr, "edge_index": edge_index, "edge_attr": edge_attr,
            "edge_sh": edge_sh, "W1": W1, "b1": b1, "W2": W2, "b2": b2}


def reference(node_attr, edge_index, edge_attr, edge_sh, W1, b1, W2, b2):
    edge_src = edge_index[0]
    edge_dst = edge_index[1]
    # fc layer producing per-edge tensor-product weights (edge_weight = 1.0)
    h = jax.nn.relu(edge_attr @ W1 + b1)
    tp_w = h @ W2 + b2                                  # [E, 576]
    # gather dst node features, tensor product, scatter-mean to src nodes
    msg = faster_tp(node_attr[edge_dst], edge_sh, tp_w)  # [E, 40]
    sums = jax.ops.segment_sum(msg, edge_src, num_segments=N_NODES)
    counts = jax.ops.segment_sum(jnp.ones((E,), jnp.float32), edge_src, num_segments=N_NODES)
    out = sums / jnp.clip(counts, 1.0)[:, None]
    # residual: out_irreps == in_irreps so pad is a no-op, plain add
    out = out + node_attr
    return out

if __name__ == "__main__":
    import jax
    _d = setup_inputs()
    print(jax.jit(kernel)(*tuple(_d.values())))

</pallas_src>

<mosaic_0001>
#map = affine_map<(d0, d1) -> (0, 0)>
#map1 = affine_map<(d0, d1) -> (0, 0, 0)>
module attributes {stable_mosaic.version = 14 : i64} {
  func.func @k(%arg0: i32, %arg1: i32, %arg2: memref<163840x128xf32, #tpu.memory_space<hbm>>, %arg3: memref<32x40x128xi32, #tpu.memory_space<hbm>>, %arg4: memref<10112x128xf32, #tpu.memory_space<hbm>>, %arg5: memref<2x10112x128xf32, #tpu.memory_space<hbm>>, %arg6: memref<10112x128xf32, #tpu.memory_space<vmem_shared>>, %arg7: memref<40x128xi32, #tpu.memory_space<vmem>>, %arg8: memref<128x128xf32, #tpu.memory_space<vmem>>) attributes {dimension_semantics = [#tpu.dimension_semantics<core_parallel>, #tpu.dimension_semantics<subcore_parallel>], iteration_bounds = array<i64: 2, 16>, scalar_prefetch = 0 : i64, scratch_operands = 3 : i64, tpu.core_type = #tpu.core_type<sc_vector_subcore>, window_params = [{transform_indices = #map}, {transform_indices = #map1}, {transform_indices = #map}, {transform_indices = #map1}]} {
    %mul3A = arith.constant 16 : i32
    %mul3A_0 = arith.muli %arg0, %mul3A : i32
    %add3A = arith.addi %mul3A_0, %arg1 : i32
    %mul3A_1 = arith.constant 632 : i32
    %mul3A_2 = arith.muli %arg1, %mul3A_1 : i32
    "tpu.region"() ({
      %run_scoped3A = tpu.sem_alloc : memref<!tpu.dma_semaphore, #tpu.memory_space<semaphore_mem>>
      %dma_start3A = arith.constant 0 : i32
      %dma_start3A_9 = tpu.memref_slice %arg6[%mul3A_2, %dma_start3A] : memref<10112x128xf32, #tpu.memory_space<vmem_shared>> -> memref<632x128xf32, #tpu.memory_space<vmem_shared>>
      %dma_start3A_10 = arith.constant 0 : i32
      %dma_start3A_11 = tpu.memref_slice %arg4[%mul3A_2, %dma_start3A_10] : memref<10112x128xf32, #tpu.memory_space<hbm>> -> memref<632x128xf32, #tpu.memory_space<hbm>>
      tpu.enqueue_dma source(%dma_start3A_11 : memref<632x128xf32, #tpu.memory_space<hbm>>) target(%dma_start3A_9 : memref<632x128xf32, #tpu.memory_space<vmem_shared>>) target_semaphore(%run_scoped3A : memref<!tpu.dma_semaphore, #tpu.memory_space<semaphore_mem>>)
      %dma_wait3A = arith.constant 0 : i32
      %dma_wait3A_12 = tpu.memref_slice %arg6[%mul3A_2, %dma_wait3A] : memref<10112x128xf32, #tpu.memory_space<vmem_shared>> -> memref<632x128xf32, #tpu.memory_space<vmem_shared>>
      %dma_wait3A_13 = arith.constant 0 : i32
      %dma_wait3A_14 = tpu.memref_slice %arg4[%mul3A_2, %dma_wait3A_13] : memref<10112x128xf32, #tpu.memory_space<hbm>> -> memref<632x128xf32, #tpu.memory_space<hbm>>
      tpu.wait_dma2 semaphore(%run_scoped3A : memref<!tpu.dma_semaphore, #tpu.memory_space<semaphore_mem>>) src(%dma_wait3A_14 : memref<632x128xf32, #tpu.memory_space<hbm>>) dst(%dma_wait3A_12 : memref<632x128xf32, #tpu.memory_space<vmem_shared>>)
      tpu.yield
    }) : () -> ()
    "tpu.region"() ({
      %run_scoped3A = tpu.sem_alloc : memref<!tpu.dma_semaphore, #tpu.memory_space<semaphore_mem>>
      %dma_start3A = arith.constant 0 : i32
      %dma_start3A_9 = arith.constant 0 : i32
      %dma_start3A_10 = tpu.memref_slice %arg3[%add3A, %dma_start3A, %dma_start3A_9] : memref<32x40x128xi32, #tpu.memory_space<hbm>> -> memref<1x40x128xi32, #tpu.memory_space<hbm>>
      %dma_start3A_11 = tpu.memref_squeeze %dma_start3A_10 : memref<1x40x128xi32, #tpu.memory_space<hbm>> -> memref<40x128xi32, #tpu.memory_space<hbm>>
      %dma_start3A_12 = arith.constant 0 : i32
      %dma_start3A_13 = arith.constant 0 : i32
      %dma_start3A_14 = tpu.memref_slice %arg3[%add3A, %dma_start3A_12, %dma_start3A_13] : memref<32x40x128xi32, #tpu.memory_space<hbm>> -> memref<1x40x128xi32, #tpu.memory_space<hbm>>
      %dma_start3A_15 = tpu.memref_squeeze %dma_start3A_14 : memref<1x40x128xi32, #tpu.memory_space<hbm>> -> memref<40x128xi32, #tpu.memory_space<hbm>>
      tpu.enqueue_dma source(%dma_start3A_15 : memref<40x128xi32, #tpu.memory_space<hbm>>) target(%arg7 : memref<40x128xi32, #tpu.memory_space<vmem>>) target_semaphore(%run_scoped3A : memref<!tpu.dma_semaphore, #tpu.memory_space<semaphore_mem>>)
      %dma_wait3A = arith.constant 0 : i32
      %dma_wait3A_16 = arith.constant 0 : i32
      %dma_wait3A_17 = tpu.memref_slice %arg3[%add3A, %dma_wait3A, %dma_wait3A_16] : memref<32x40x128xi32, #tpu.memory_space<hbm>> -> memref<1x40x128xi32, #tpu.memory_space<hbm>>
      %dma_wait3A_18 = tpu.memref_squeeze %dma_wait3A_17 : memref<1x40x128xi32, #tpu.memory_space<hbm>> -> memref<40x128xi32, #tpu.memory_space<hbm>>
      %dma_wait3A_19 = arith.constant 0 : i32
      %dma_wait3A_20 = arith.constant 0 : i32
      %dma_wait3A_21 = tpu.memref_slice %arg3[%add3A, %dma_wait3A_19, %dma_wait3A_20] : memref<32x40x128xi32, #tpu.memory_space<hbm>> -> memref<1x40x128xi32, #tpu.memory_space<hbm>>
      %dma_wait3A_22 = tpu.memref_squeeze %dma_wait3A_21 : memref<1x40x128xi32, #tpu.memory_space<hbm>> -> memref<40x128xi32, #tpu.memory_space<hbm>>
      tpu.wait_dma2 semaphore(%run_scoped3A : memref<!tpu.dma_semaphore, #tpu.memory_space<semaphore_mem>>) src(%dma_wait3A_22 : memref<40x128xi32, #tpu.memory_space<hbm>>) dst(%arg7 : memref<40x128xi32, #tpu.memory_space<vmem>>)
      tpu.yield
    }) : () -> ()
    %barrier3A = arith.constant 0 : index
    tpu.barrier barrier_id(%barrier3A)
    %scan3A = arith.constant 0 : i32
    %scan3A_3 = arith.constant 0 : i32
    %scan3A_4 = arith.constant 40 : i32
    %scan3A_5 = arith.addi %scan3A_3, %scan3A_4 : i32
    %scan3A_6 = arith.constant 1 : i32
    scf.for %scan3A_9 = %scan3A_3 to %scan3A_5 step %scan3A_6  : i32 {
      %mul3A_10 = arith.constant 5120 : i32
      %mul3A_11 = arith.muli %add3A, %mul3A_10 : i32
      %mul3A_12 = arith.constant 128 : i32
      %mul3A_13 = arith.muli %scan3A_9, %mul3A_12 : i32
      %add3A_14 = arith.addi %mul3A_11, %mul3A_13 : i32
      "tpu.region"() ({
        %run_scoped3A = tpu.sem_alloc : memref<!tpu.dma_semaphore, #tpu.memory_space<semaphore_mem>>
        %dma_start3A = arith.constant 0 : i32
        %dma_start3A_15 = tpu.memref_slice %arg2[%add3A_14, %dma_start3A] : memref<163840x128xf32, #tpu.memory_space<hbm>> -> memref<128x128xf32, #tpu.memory_space<hbm>>
        %dma_start3A_16 = arith.constant 0 : i32
        %dma_start3A_17 = tpu.memref_slice %arg2[%add3A_14, %dma_start3A_16] : memref<163840x128xf32, #tpu.memory_space<hbm>> -> memref<128x128xf32, #tpu.memory_space<hbm>>
        tpu.enqueue_dma source(%dma_start3A_17 : memref<128x128xf32, #tpu.memory_space<hbm>>) target(%arg8 : memref<128x128xf32, #tpu.memory_space<vmem>>) target_semaphore(%run_scoped3A : memref<!tpu.dma_semaphore, #tpu.memory_space<semaphore_mem>>)
        %dma_wait3A = arith.constant 0 : i32
        %dma_wait3A_18 = tpu.memref_slice %arg2[%add3A_14, %dma_wait3A] : memref<163840x128xf32, #tpu.memory_space<hbm>> -> memref<128x128xf32, #tpu.memory_space<hbm>>
        %dma_wait3A_19 = arith.constant 0 : i32
        %dma_wait3A_20 = tpu.memref_slice %arg2[%add3A_14, %dma_wait3A_19] : memref<163840x128xf32, #tpu.memory_space<hbm>> -> memref<128x128xf32, #tpu.memory_space<hbm>>
        tpu.wait_dma2 semaphore(%run_scoped3A : memref<!tpu.dma_semaphore, #tpu.memory_space<semaphore_mem>>) src(%dma_wait3A_20 : memref<128x128xf32, #tpu.memory_space<hbm>>) dst(%arg8 : memref<128x128xf32, #tpu.memory_space<vmem>>)
        tpu.yield
      }) : () -> ()
      "tpu.region"() ({
        %run_scoped3A = tpu.sem_alloc : memref<!tpu.dma_semaphore, #tpu.memory_space<semaphore_mem>>
        %dma_start3A = arith.constant 0 : i32
        %dma_start3A_15 = tpu.memref_slice %arg7[%scan3A_9, %dma_start3A] : memref<40x128xi32, #tpu.memory_space<vmem>> -> memref<1x128xi32, #tpu.memory_space<vmem>>
        %dma_start3A_16 = tpu.memref_squeeze %dma_start3A_15 : memref<1x128xi32, #tpu.memory_space<vmem>> -> memref<128xi32, #tpu.memory_space<vmem>>
        %dma_start3A_17 = arith.constant 0 : i32
        %dma_start3A_18 = arith.constant 0 : i32
        %dma_start3A_19 = tpu.memref_slice %arg6[%dma_start3A_17, %dma_start3A_18] : memref<10112x128xf32, #tpu.memory_space<vmem_shared>> -> memref<10112x128xf32, #tpu.memory_space<vmem_shared>>
        tpu.enqueue_indirect_dma source(%arg8 : memref<128x128xf32, #tpu.memory_space<vmem>>) target(%dma_start3A_19 : memref<10112x128xf32, #tpu.memory_space<vmem_shared>>) offsets(%dma_start3A_16 : memref<128xi32, #tpu.memory_space<vmem>>) semaphore(%run_scoped3A : memref<!tpu.dma_semaphore, #tpu.memory_space<semaphore_mem>>) {add = true}
        %dma_wait3A = arith.constant 0 : i32
        %dma_wait3A_20 = tpu.memref_slice %arg7[%scan3A_9, %dma_wait3A] : memref<40x128xi32, #tpu.memory_space<vmem>> -> memref<1x128xi32, #tpu.memory_space<vmem>>
        %dma_wait3A_21 = tpu.memref_squeeze %dma_wait3A_20 : memref<1x128xi32, #tpu.memory_space<vmem>> -> memref<128xi32, #tpu.memory_space<vmem>>
        %dma_wait3A_22 = arith.constant 0 : i32
        %dma_wait3A_23 = arith.constant 0 : i32
        %dma_wait3A_24 = tpu.memref_slice %arg6[%dma_wait3A_22, %dma_wait3A_23] : memref<10112x128xf32, #tpu.memory_space<vmem_shared>> -> memref<10112x128xf32, #tpu.memory_space<vmem_shared>>
        tpu.wait_indirect_dma semaphore(%run_scoped3A : memref<!tpu.dma_semaphore, #tpu.memory_space<semaphore_mem>>) src(%arg8 : memref<128x128xf32, #tpu.memory_space<vmem>>) dst(%dma_wait3A_24 : memref<10112x128xf32, #tpu.memory_space<vmem_shared>>)
        tpu.yield
      }) : () -> ()
    }
    %scan3A_7 = arith.constant 40 : i32
    %barrier3A_8 = arith.constant 0 : index
    tpu.barrier barrier_id(%barrier3A_8)
    "tpu.region"() ({
      %run_scoped3A = tpu.sem_alloc : memref<!tpu.dma_semaphore, #tpu.memory_space<semaphore_mem>>
      %dma_start3A = arith.constant 0 : i32
      %dma_start3A_9 = tpu.memref_slice %arg5[%arg0, %mul3A_2, %dma_start3A] : memref<2x10112x128xf32, #tpu.memory_space<hbm>> -> memref<1x632x128xf32, #tpu.memory_space<hbm>>
      %dma_start3A_10 = tpu.memref_squeeze %dma_start3A_9 : memref<1x632x128xf32, #tpu.memory_space<hbm>> -> memref<632x128xf32, #tpu.memory_space<hbm>>
      %dma_start3A_11 = arith.constant 0 : i32
      %dma_start3A_12 = tpu.memref_slice %arg6[%mul3A_2, %dma_start3A_11] : memref<10112x128xf32, #tpu.memory_space<vmem_shared>> -> memref<632x128xf32, #tpu.memory_space<vmem_shared>>
      tpu.enqueue_dma source(%dma_start3A_12 : memref<632x128xf32, #tpu.memory_space<vmem_shared>>) target(%dma_start3A_10 : memref<632x128xf32, #tpu.memory_space<hbm>>) target_semaphore(%run_scoped3A : memref<!tpu.dma_semaphore, #tpu.memory_space<semaphore_mem>>)
      %dma_wait3A = arith.constant 0 : i32
      %dma_wait3A_13 = tpu.memref_slice %arg5[%arg0, %mul3A_2, %dma_wait3A] : memref<2x10112x128xf32, #tpu.memory_space<hbm>> -> memref<1x632x128xf32, #tpu.memory_space<hbm>>
      %dma_wait3A_14 = tpu.memref_squeeze %dma_wait3A_13 : memref<1x632x128xf32, #tpu.memory_space<hbm>> -> memref<632x128xf32, #tpu.memory_space<hbm>>
      %dma_wait3A_15 = arith.constant 0 : i32
      %dma_wait3A_16 = tpu.memref_slice %arg6[%mul3A_2, %dma_wait3A_15] : memref<10112x128xf32, #tpu.memory_space<vmem_shared>> -> memref<632x128xf32, #tpu.memory_space<vmem_shared>>
      tpu.wait_dma2 semaphore(%run_scoped3A : memref<!tpu.dma_semaphore, #tpu.memory_space<semaphore_mem>>) src(%dma_wait3A_16 : memref<632x128xf32, #tpu.memory_space<vmem_shared>>) dst(%dma_wait3A_14 : memref<632x128xf32, #tpu.memory_space<hbm>>)
      tpu.yield
    }) : () -> ()
    return
  }
}

#map = affine_map<(d0, d1) -> (0, 0)>
#map1 = affine_map<(d0, d1) -> (0, 0, 0)>
module attributes {stable_mosaic.version = 14 : i64} {
  func.func @k(%arg0: i32, %arg1: i32, %arg2: memref<10000x128xf32, #tpu.memory_space<hbm>>, %arg3: memref<32x40x128xi32, #tpu.memory_space<hbm>>, %arg4: memref<163840x128xf32, #tpu.memory_space<hbm>>, %arg5: memref<40x128xi32, #tpu.memory_space<vmem>>, %arg6: memref<128x128xf32, #tpu.memory_space<vmem>>, %arg7: memref<128x128xf32, #tpu.memory_space<vmem>>, %arg8: memref<!tpu.dma_semaphore, #tpu.memory_space<semaphore_mem>>, %arg9: memref<!tpu.dma_semaphore, #tpu.memory_space<semaphore_mem>>, %arg10: memref<!tpu.dma_semaphore, #tpu.memory_space<semaphore_mem>>, %arg11: memref<!tpu.dma_semaphore, #tpu.memory_space<semaphore_mem>>) attributes {dimension_semantics = [#tpu.dimension_semantics<core_parallel>, #tpu.dimension_semantics<subcore_parallel>], iteration_bounds = array<i64: 2, 16>, scalar_prefetch = 0 : i64, scratch_operands = 7 : i64, tpu.core_type = #tpu.core_type<sc_vector_subcore>, window_params = [{transform_indices = #map}, {transform_indices = #map1}, {transform_indices = #map}]} {
    %mul3A = arith.constant 16 : i32
    %mul3A_0 = arith.muli %arg0, %mul3A : i32
    %add3A = arith.addi %mul3A_0, %arg1 : i32
    "tpu.region"() ({
      %run_scoped3A = tpu.sem_alloc : memref<!tpu.dma_semaphore, #tpu.memory_space<semaphore_mem>>
      %dma_start3A_23 = arith.constant 0 : i32
      %dma_start3A_24 = arith.constant 0 : i32
      %dma_start3A_25 = tpu.memref_slice %arg3[%add3A, %dma_start3A_23, %dma_start3A_24] : memref<32x40x128xi32, #tpu.memory_space<hbm>> -> memref<1x40x128xi32, #tpu.memory_space<hbm>>
      %dma_start3A_26 = tpu.memref_squeeze %dma_start3A_25 : memref<1x40x128xi32, #tpu.memory_space<hbm>> -> memref<40x128xi32, #tpu.memory_space<hbm>>
      %dma_start3A_27 = arith.constant 0 : i32
      %dma_start3A_28 = arith.constant 0 : i32
      %dma_start3A_29 = tpu.memref_slice %arg3[%add3A, %dma_start3A_27, %dma_start3A_28] : memref<32x40x128xi32, #tpu.memory_space<hbm>> -> memref<1x40x128xi32, #tpu.memory_space<hbm>>
      %dma_start3A_30 = tpu.memref_squeeze %dma_start3A_29 : memref<1x40x128xi32, #tpu.memory_space<hbm>> -> memref<40x128xi32, #tpu.memory_space<hbm>>
      tpu.enqueue_dma source(%dma_start3A_30 : memref<40x128xi32, #tpu.memory_space<hbm>>) target(%arg5 : memref<40x128xi32, #tpu.memory_space<vmem>>) target_semaphore(%run_scoped3A : memref<!tpu.dma_semaphore, #tpu.memory_space<semaphore_mem>>)
      %dma_wait3A_31 = arith.constant 0 : i32
      %dma_wait3A_32 = arith.constant 0 : i32
      %dma_wait3A_33 = tpu.memref_slice %arg3[%add3A, %dma_wait3A_31, %dma_wait3A_32] : memref<32x40x128xi32, #tpu.memory_space<hbm>> -> memref<1x40x128xi32, #tpu.memory_space<hbm>>
      %dma_wait3A_34 = tpu.memref_squeeze %dma_wait3A_33 : memref<1x40x128xi32, #tpu.memory_space<hbm>> -> memref<40x128xi32, #tpu.memory_space<hbm>>
      %dma_wait3A_35 = arith.constant 0 : i32
      %dma_wait3A_36 = arith.constant 0 : i32
      %dma_wait3A_37 = tpu.memref_slice %arg3[%add3A, %dma_wait3A_35, %dma_wait3A_36] : memref<32x40x128xi32, #tpu.memory_space<hbm>> -> memref<1x40x128xi32, #tpu.memory_space<hbm>>
      %dma_wait3A_38 = tpu.memref_squeeze %dma_wait3A_37 : memref<1x40x128xi32, #tpu.memory_space<hbm>> -> memref<40x128xi32, #tpu.memory_space<hbm>>
      tpu.wait_dma2 semaphore(%run_scoped3A : memref<!tpu.dma_semaphore, #tpu.memory_space<semaphore_mem>>) src(%dma_wait3A_38 : memref<40x128xi32, #tpu.memory_space<hbm>>) dst(%arg5 : memref<40x128xi32, #tpu.memory_space<vmem>>)
      tpu.yield
    }) : () -> ()
    %dma_start3A = arith.constant 0 : i32
    %dma_start3A_1 = arith.constant 0 : i32
    %dma_start3A_2 = tpu.memref_slice %arg5[%dma_start3A, %dma_start3A_1] : memref<40x128xi32, #tpu.memory_space<vmem>> -> memref<1x128xi32, #tpu.memory_space<vmem>>
    %dma_start3A_3 = tpu.memref_squeeze %dma_start3A_2 : memref<1x128xi32, #tpu.memory_space<vmem>> -> memref<128xi32, #tpu.memory_space<vmem>>
    %dma_start3A_4 = arith.constant 0 : i32
    %dma_start3A_5 = arith.constant 0 : i32
    %dma_start3A_6 = tpu.memref_slice %arg2[%dma_start3A_4, %dma_start3A_5] : memref<10000x128xf32, #tpu.memory_space<hbm>> -> memref<10000x128xf32, #tpu.memory_space<hbm>>
    tpu.enqueue_indirect_dma source(%dma_start3A_6 : memref<10000x128xf32, #tpu.memory_space<hbm>>) target(%arg6 : memref<128x128xf32, #tpu.memory_space<vmem>>) offsets(%dma_start3A_3 : memref<128xi32, #tpu.memory_space<vmem>>) semaphore(%arg8 : memref<!tpu.dma_semaphore, #tpu.memory_space<semaphore_mem>>)
    %scan3A = arith.constant 0 : i32
    %scan3A_7 = arith.constant 0 : i32
    %scan3A_8 = arith.constant 20 : i32
    %scan3A_9 = arith.addi %scan3A_7, %scan3A_8 : i32
    %scan3A_10 = arith.constant 1 : i32
    scf.for %scan3A_23 = %scan3A_7 to %scan3A_9 step %scan3A_10  : i32 {
      %mul3A_24 = arith.constant 2 : i32
      %mul3A_25 = arith.muli %mul3A_24, %scan3A_23 : i32
      %dma_wait3A_26 = arith.constant 0 : i32
      %dma_wait3A_27 = tpu.memref_slice %arg5[%mul3A_25, %dma_wait3A_26] : memref<40x128xi32, #tpu.memory_space<vmem>> -> memref<1x128xi32, #tpu.memory_space<vmem>>
      %dma_wait3A_28 = tpu.memref_squeeze %dma_wait3A_27 : memref<1x128xi32, #tpu.memory_space<vmem>> -> memref<128xi32, #tpu.memory_space<vmem>>
      %dma_wait3A_29 = arith.constant 0 : i32
      %dma_wait3A_30 = arith.constant 0 : i32
      %dma_wait3A_31 = tpu.memref_slice %arg2[%dma_wait3A_29, %dma_wait3A_30] : memref<10000x128xf32, #tpu.memory_space<hbm>> -> memref<10000x128xf32, #tpu.memory_space<hbm>>
      tpu.wait_indirect_dma semaphore(%arg8 : memref<!tpu.dma_semaphore, #tpu.memory_space<semaphore_mem>>) src(%dma_wait3A_31 : memref<10000x128xf32, #tpu.memory_space<hbm>>) dst(%arg6 : memref<128x128xf32, #tpu.memory_space<vmem>>)
      %add3A_32 = arith.constant 1 : i32
      %add3A_33 = arith.addi %mul3A_25, %add3A_32 : i32
      %dma_start3A_34 = arith.constant 0 : i32
      %dma_start3A_35 = tpu.memref_slice %arg5[%add3A_33, %dma_start3A_34] : memref<40x128xi32, #tpu.memory_space<vmem>> -> memref<1x128xi32, #tpu.memory_space<vmem>>
      %dma_start3A_36 = tpu.memref_squeeze %dma_start3A_35 : memref<1x128xi32, #tpu.memory_space<vmem>> -> memref<128xi32, #tpu.memory_space<vmem>>
      %dma_start3A_37 = arith.constant 0 : i32
      %dma_start3A_38 = arith.constant 0 : i32
      %dma_start3A_39 = tpu.memref_slice %arg2[%dma_start3A_37, %dma_start3A_38] : memref<10000x128xf32, #tpu.memory_space<hbm>> -> memref<10000x128xf32, #tpu.memory_space<hbm>>
      tpu.enqueue_indirect_dma source(%dma_start3A_39 : memref<10000x128xf32, #tpu.memory_space<hbm>>) target(%arg7 : memref<128x128xf32, #tpu.memory_space<vmem>>) offsets(%dma_start3A_36 : memref<128xi32, #tpu.memory_space<vmem>>) semaphore(%arg9 : memref<!tpu.dma_semaphore, #tpu.memory_space<semaphore_mem>>)
      %gt3A = arith.constant 0 : i32
      %gt3A_40 = arith.cmpi sgt, %scan3A_23, %gt3A : i32
      %convert_element_type3A = arith.extui %gt3A_40 : i1 to i32
      %cond3A = arith.constant 0 : i32
      %cond3A_41 = arith.cmpi ne, %convert_element_type3A, %cond3A : i32
      scf.if %cond3A_41 {
        %dma_wait3A_81 = arith.constant 0 : i32
        %dma_wait3A_82 = arith.constant 0 : i32
        %dma_wait3A_83 = tpu.memref_slice %arg4[%dma_wait3A_81, %dma_wait3A_82] : memref<163840x128xf32, #tpu.memory_space<hbm>> -> memref<128x128xf32, #tpu.memory_space<hbm>>
        %dma_wait3A_84 = arith.constant 0 : i32
        %dma_wait3A_85 = arith.constant 0 : i32
        %dma_wait3A_86 = tpu.memref_slice %arg4[%dma_wait3A_84, %dma_wait3A_85] : memref<163840x128xf32, #tpu.memory_space<hbm>> -> memref<128x128xf32, #tpu.memory_space<hbm>>
        tpu.wait_dma2 semaphore(%arg10 : memref<!tpu.dma_semaphore, #tpu.memory_space<semaphore_mem>>) src(%arg6 : memref<128x128xf32, #tpu.memory_space<vmem>>) dst(%dma_wait3A_86 : memref<128x128xf32, #tpu.memory_space<hbm>>)
      } else {
      }
      %mul3A_42 = arith.constant 5120 : i32
      %mul3A_43 = arith.muli %add3A, %mul3A_42 : i32
      %mul3A_44 = arith.constant 128 : i32
      %mul3A_45 = arith.muli %mul3A_25, %mul3A_44 : i32
      %add3A_46 = arith.addi %mul3A_43, %mul3A_45 : i32
      %dma_start3A_47 = arith.constant 0 : i32
      %dma_start3A_48 = tpu.memref_slice %arg4[%add3A_46, %dma_start3A_47] : memref<163840x128xf32, #tpu.memory_space<hbm>> -> memref<128x128xf32, #tpu.memory_space<hbm>>
      %dma_start3A_49 = arith.constant 0 : i32
      %dma_start3A_50 = tpu.memref_slice %arg4[%add3A_46, %dma_start3A_49] : memref<163840x128xf32, #tpu.memory_space<hbm>> -> memref<128x128xf32, #tpu.memory_space<hbm>>
      tpu.enqueue_dma source(%arg6 : memref<128x128xf32, #tpu.memory_space<vmem>>) target(%dma_start3A_50 : memref<128x128xf32, #tpu.memory_space<hbm>>) target_semaphore(%arg10 : memref<!tpu.dma_semaphore, #tpu.memory_space<semaphore_mem>>)
      %add3A_51 = arith.constant 1 : i32
      %add3A_52 = arith.addi %mul3A_25, %add3A_51 : i32
      %dma_wait3A_53 = arith.constant 0 : i32
      %dma_wait3A_54 = tpu.memref_slice %arg5[%add3A_52, %dma_wait3A_53] : memref<40x128xi32, #tpu.memory_space<vmem>> -> memref<1x128xi32, #tpu.memory_space<vmem>>
      %dma_wait3A_55 = tpu.memref_squeeze %dma_wait3A_54 : memref<1x128xi32, #tpu.memory_space<vmem>> -> memref<128xi32, #tpu.memory_space<vmem>>
      %dma_wait3A_56 = arith.constant 0 : i32
      %dma_wait3A_57 = arith.constant 0 : i32
      %dma_wait3A_58 = tpu.memref_slice %arg2[%dma_wait3A_56, %dma_wait3A_57] : memref<10000x128xf32, #tpu.memory_space<hbm>> -> memref<10000x128xf32, #tpu.memory_space<hbm>>
      tpu.wait_indirect_dma semaphore(%arg9 : memref<!tpu.dma_semaphore, #tpu.memory_space<semaphore_mem>>) src(%dma_wait3A_58 : memref<10000x128xf32, #tpu.memory_space<hbm>>) dst(%arg7 : memref<128x128xf32, #tpu.memory_space<vmem>>)
      %add3A_59 = arith.constant 1 : i32
      %add3A_60 = arith.addi %scan3A_23, %add3A_59 : i32
      %lt3A = arith.constant 20 : i32
      %lt3A_61 = arith.cmpi slt, %add3A_60, %lt3A : i32
      %convert_element_type3A_62 = arith.extui %lt3A_61 : i1 to i32
      %cond3A_63 = arith.constant 0 : i32
      %cond3A_64 = arith.cmpi ne, %convert_element_type3A_62, %cond3A_63 : i32
      scf.if %cond3A_64 {
        %add3A_81 = arith.constant 2 : i32
        %add3A_82 = arith.addi %mul3A_25, %add3A_81 : i32
        %dma_start3A_83 = arith.constant 0 : i32
        %dma_start3A_84 = tpu.memref_slice %arg5[%add3A_82, %dma_start3A_83] : memref<40x128xi32, #tpu.memory_space<vmem>> -> memref<1x128xi32, #tpu.memory_space<vmem>>
        %dma_start3A_85 = tpu.memref_squeeze %dma_start3A_84 : memref<1x128xi32, #tpu.memory_space<vmem>> -> memref<128xi32, #tpu.memory_space<vmem>>
        %dma_start3A_86 = arith.constant 0 : i32
        %dma_start3A_87 = arith.constant 0 : i32
        %dma_start3A_88 = tpu.memref_slice %arg2[%dma_start3A_86, %dma_start3A_87] : memref<10000x128xf32, #tpu.memory_space<hbm>> -> memref<10000x128xf32, #tpu.memory_space<hbm>>
        tpu.enqueue_indirect_dma source(%dma_start3A_88 : memref<10000x128xf32, #tpu.memory_space<hbm>>) target(%arg6 : memref<128x128xf32, #tpu.memory_space<vmem>>) offsets(%dma_start3A_85 : memref<128xi32, #tpu.memory_space<vmem>>) semaphore(%arg8 : memref<!tpu.dma_semaphore, #tpu.memory_space<semaphore_mem>>)
      } else {
      }
      %gt3A_65 = arith.constant 0 : i32
      %gt3A_66 = arith.cmpi sgt, %scan3A_23, %gt3A_65 : i32
      %convert_element_type3A_67 = arith.extui %gt3A_66 : i1 to i32
      %cond3A_68 = arith.constant 0 : i32
      %cond3A_69 = arith.cmpi ne, %convert_element_type3A_67, %cond3A_68 : i32
      scf.if %cond3A_69 {
        %dma_wait3A_81 = arith.constant 0 : i32
        %dma_wait3A_82 = arith.constant 0 : i32
        %dma_wait3A_83 = tpu.memref_slice %arg4[%dma_wait3A_81, %dma_wait3A_82] : memref<163840x128xf32, #tpu.memory_space<hbm>> -> memref<128x128xf32, #tpu.memory_space<hbm>>
        %dma_wait3A_84 = arith.constant 0 : i32
        %dma_wait3A_85 = arith.constant 0 : i32
        %dma_wait3A_86 = tpu.memref_slice %arg4[%dma_wait3A_84, %dma_wait3A_85] : memref<163840x128xf32, #tpu.memory_space<hbm>> -> memref<128x128xf32, #tpu.memory_space<hbm>>
        tpu.wait_dma2 semaphore(%arg11 : memref<!tpu.dma_semaphore, #tpu.memory_space<semaphore_mem>>) src(%arg7 : memref<128x128xf32, #tpu.memory_space<vmem>>) dst(%dma_wait3A_86 : memref<128x128xf32, #tpu.memory_space<hbm>>)
      } else {
      }
      %add3A_70 = arith.constant 1 : i32
      %add3A_71 = arith.addi %mul3A_25, %add3A_70 : i32
      %mul3A_72 = arith.constant 5120 : i32
      %mul3A_73 = arith.muli %add3A, %mul3A_72 : i32
      %mul3A_74 = arith.constant 128 : i32
      %mul3A_75 = arith.muli %add3A_71, %mul3A_74 : i32
      %add3A_76 = arith.addi %mul3A_73, %mul3A_75 : i32
      %dma_start3A_77 = arith.constant 0 : i32
      %dma_start3A_78 = tpu.memref_slice %arg4[%add3A_76, %dma_start3A_77] : memref<163840x128xf32, #tpu.memory_space<hbm>> -> memref<128x128xf32, #tpu.memory_space<hbm>>
      %dma_start3A_79 = arith.constant 0 : i32
      %dma_start3A_80 = tpu.memref_slice %arg4[%add3A_76, %dma_start3A_79] : memref<163840x128xf32, #tpu.memory_space<hbm>> -> memref<128x128xf32, #tpu.memory_space<hbm>>
      tpu.enqueue_dma source(%arg7 : memref<128x128xf32, #tpu.memory_space<vmem>>) target(%dma_start3A_80 : memref<128x128xf32, #tpu.memory_space<hbm>>) target_semaphore(%arg11 : memref<!tpu.dma_semaphore, #tpu.memory_space<semaphore_mem>>)
    }
    %scan3A_11 = arith.constant 20 : i32
    %dma_wait3A = arith.constant 0 : i32
    %dma_wait3A_12 = arith.constant 0 : i32
    %dma_wait3A_13 = tpu.memref_slice %arg4[%dma_wait3A, %dma_wait3A_12] : memref<163840x128xf32, #tpu.memory_space<hbm>> -> memref<128x128xf32, #tpu.memory_space<hbm>>
    %dma_wait3A_14 = arith.constant 0 : i32
    %dma_wait3A_15 = arith.constant 0 : i32
    %dma_wait3A_16 = tpu.memref_slice %arg4[%dma_wait3A_14, %dma_wait3A_15] : memref<163840x128xf32, #tpu.memory_space<hbm>> -> memref<128x128xf32, #tpu.memory_space<hbm>>
    tpu.wait_dma2 semaphore(%arg10 : memref<!tpu.dma_semaphore, #tpu.memory_space<semaphore_mem>>) src(%arg6 : memref<128x128xf32, #tpu.memory_space<vmem>>) dst(%dma_wait3A_16 : memref<128x128xf32, #tpu.memory_space<hbm>>)
    %dma_wait3A_17 = arith.constant 0 : i32
    %dma_wait3A_18 = arith.constant 0 : i32
    %dma_wait3A_19 = tpu.memref_slice %arg4[%dma_wait3A_17, %dma_wait3A_18] : memref<163840x128xf32, #tpu.memory_space<hbm>> -> memref<128x128xf32, #tpu.memory_space<hbm>>
    %dma_wait3A_20 = arith.constant 0 : i32
    %dma_wait3A_21 = arith.constant 0 : i32
    %dma_wait3A_22 = tpu.memref_slice %arg4[%dma_wait3A_20, %dma_wait3A_21] : memref<163840x128xf32, #tpu.memory_space<hbm>> -> memref<128x128xf32, #tpu.memory_space<hbm>>
    tpu.wait_dma2 semaphore(%arg11 : memref<!tpu.dma_semaphore, #tpu.memory_space<semaphore_mem>>) src(%arg7 : memref<128x128xf32, #tpu.memory_space<vmem>>) dst(%dma_wait3A_22 : memref<128x128xf32, #tpu.memory_space<hbm>>)
    return
  }
}

module attributes {stable_mosaic.version = 14 : i64} {
  func.func @_edge_kernel(%arg0: i32, %arg1: memref<1024x128xf32, #tpu.memory_space<vmem>>, %arg2: memref<1024x16xf32, #tpu.memory_space<vmem>>, %arg3: memref<1024x4xf32, #tpu.memory_space<vmem>>, %arg4: memref<16x64xf32, #tpu.memory_space<vmem>>, %arg5: memref<1x64xf32, #tpu.memory_space<vmem>>, %arg6: memref<64x576xf32, #tpu.memory_space<vmem>>, %arg7: memref<1x576xf32, #tpu.memory_space<vmem>>, %arg8: memref<24x384xf32, #tpu.memory_space<vmem>>, %arg9: memref<384x16xf32, #tpu.memory_space<vmem>>, %arg10: memref<24x192xf32, #tpu.memory_space<vmem>>, %arg11: memref<192x8xf32, #tpu.memory_space<vmem>>, %arg12: memref<1024x128xf32, #tpu.memory_space<vmem>>) attributes {dimension_semantics = [#tpu.dimension_semantics<parallel>], iteration_bounds = array<i64: 160>, scalar_prefetch = 0 : i64, scratch_operands = 0 : i64, tpu.core_type = #tpu.core_type<tc>, window_params = [{transform_indices = @transform_0, window_bounds = array<i64: 1024, 128>}, {transform_indices = @transform_1, window_bounds = array<i64: 1024, 16>}, {transform_indices = @transform_2, window_bounds = array<i64: 1024, 4>}, {pipeline_mode = #tpu.pipeline_mode<synchronous>, transform_indices = @transform_3, window_bounds = array<i64: 16, 64>}, {pipeline_mode = #tpu.pipeline_mode<synchronous>, transform_indices = @transform_4, window_bounds = array<i64: 1, 64>}, {pipeline_mode = #tpu.pipeline_mode<synchronous>, transform_indices = @transform_5, window_bounds = array<i64: 64, 576>}, {pipeline_mode = #tpu.pipeline_mode<synchronous>, transform_indices = @transform_6, window_bounds = array<i64: 1, 576>}, {pipeline_mode = #tpu.pipeline_mode<synchronous>, transform_indices = @transform_7, window_bounds = array<i64: 24, 384>}, {pipeline_mode = #tpu.pipeline_mode<synchronous>, transform_indices = @transform_8, window_bounds = array<i64: 384, 16>}, {pipeline_mode = #tpu.pipeline_mode<synchronous>, transform_indices = @transform_9, window_bounds = array<i64: 24, 192>}, {pipeline_mode = #tpu.pipeline_mode<synchronous>, transform_indices = @transform_10, window_bounds = array<i64: 192, 8>}, {transform_indices = @transform_11, window_bounds = array<i64: 1024, 128>}]} {
    %get3A = arith.constant 0 : index
    %get3A_0 = arith.constant 0 : index
    %get3A_1 = vector.load %arg2[%get3A, %get3A_0] : memref<1024x16xf32, #tpu.memory_space<vmem>>, vector<1024x16xf32>
    %get3A_2 = arith.constant 0 : index
    %get3A_3 = arith.constant 0 : index
    %get3A_4 = vector.load %arg1[%get3A_2, %get3A_3] : memref<1024x128xf32, #tpu.memory_space<vmem>>, vector<1024x40xf32>
    %get3A_5 = arith.constant 0 : index
    %get3A_6 = arith.constant 0 : index
    %get3A_7 = vector.load %arg3[%get3A_5, %get3A_6] : memref<1024x4xf32, #tpu.memory_space<vmem>>, vector<1024x4xf32>
    %get3A_8 = arith.constant 0 : index
    %get3A_9 = arith.constant 0 : index
    %get3A_10 = vector.load %arg4[%get3A_8, %get3A_9] : memref<16x64xf32, #tpu.memory_space<vmem>>, vector<16x64xf32>
    %convert_element_type3A = arith.truncf %get3A_1 : vector<1024x16xf32> to vector<1024x16xbf16>
    %convert_element_type3A_11 = arith.truncf %get3A_10 : vector<16x64xf32> to vector<16x64xbf16>
    %dot_general3A = arith.constant dense<0.000000e+00> : vector<1024x64xf32>
    %dot_general3A_12 = tpu.matmul %convert_element_type3A, %convert_element_type3A_11, %dot_general3A {dimension_numbers = #tpu.dot_dimension_numbers<[1], [0], [0], [1], [0, 0, 1, 1], [], []>, transpose_lhs_hint = false} : vector<1024x16xbf16>, vector<16x64xbf16>, vector<1024x64xf32> -> vector<1024x64xf32>
    %get3A_13 = arith.constant 0 : index
    %get3A_14 = arith.constant 0 : index
    %get3A_15 = vector.load %arg5[%get3A_13, %get3A_14] : memref<1x64xf32, #tpu.memory_space<vmem>>, vector<1x64xf32>
    %add3A = vector.broadcast %get3A_15 : vector<1x64xf32> to vector<1024x64xf32>
    %add3A_16 = arith.addf %dot_general3A_12, %add3A : vector<1024x64xf32>
    %max3A = arith.constant 0.000000e+00 : f32
    %max3A_17 = vector.broadcast %max3A : f32 to vector<1024x64xf32>
    %max3A_18 = arith.maximumf %add3A_16, %max3A_17 : vector<1024x64xf32>
    %get3A_19 = arith.constant 0 : index
    %get3A_20 = arith.constant 0 : index
    %get3A_21 = vector.load %arg6[%get3A_19, %get3A_20] : memref<64x576xf32, #tpu.memory_space<vmem>>, vector<64x576xf32>
    %convert_element_type3A_22 = arith.truncf %max3A_18 : vector<1024x64xf32> to vector<1024x64xbf16>
    %convert_element_type3A_23 = arith.truncf %get3A_21 : vector<64x576xf32> to vector<64x576xbf16>
    %dot_general3A_24 = arith.constant dense<0.000000e+00> : vector<1024x576xf32>
    %dot_general3A_25 = tpu.matmul %convert_element_type3A_22, %convert_element_type3A_23, %dot_general3A_24 {dimension_numbers = #tpu.dot_dimension_numbers<[1], [0], [0], [1], [0, 0, 1, 1], [], []>, transpose_lhs_hint = false} : vector<1024x64xbf16>, vector<64x576xbf16>, vector<1024x576xf32> -> vector<1024x576xf32>
    %get3A_26 = arith.constant 0 : index
    %get3A_27 = arith.constant 0 : index
    %get3A_28 = vector.load %arg7[%get3A_26, %get3A_27] : memref<1x576xf32, #tpu.memory_space<vmem>>, vector<1x576xf32>
    %add3A_29 = vector.broadcast %get3A_28 : vector<1x576xf32> to vector<1024x576xf32>
    %add3A_30 = arith.addf %dot_general3A_25, %add3A_29 : vector<1024x576xf32>
    %slice3A = vector.extract_strided_slice %add3A_30 {offsets = [0, 0], sizes = [1024, 384], strides = [1, 1]} : vector<1024x576xf32> to vector<1024x384xf32>
    %slice3A_31 = vector.extract_strided_slice %add3A_30 {offsets = [0, 384], sizes = [1024, 192], strides = [1, 1]} : vector<1024x576xf32> to vector<1024x192xf32>
    %slice3A_32 = vector.extract_strided_slice %get3A_4 {offsets = [0, 0], sizes = [1024, 16], strides = [1, 1]} : vector<1024x40xf32> to vector<1024x16xf32>
    %slice3A_33 = vector.extract_strided_slice %get3A_4 {offsets = [0, 16], sizes = [1024, 8], strides = [1, 1]} : vector<1024x40xf32> to vector<1024x8xf32>
    %slice3A_34 = vector.extract_strided_slice %get3A_4 {offsets = [0, 24], sizes = [1024, 8], strides = [1, 1]} : vector<1024x40xf32> to vector<1024x8xf32>
    %slice3A_35 = vector.extract_strided_slice %get3A_4 {offsets = [0, 32], sizes = [1024, 8], strides = [1, 1]} : vector<1024x40xf32> to vector<1024x8xf32>
    %slice3A_36 = vector.extract_strided_slice %get3A_7 {offsets = [0, 0], sizes = [1024, 1], strides = [1, 1]} : vector<1024x4xf32> to vector<1024x1xf32>
    %slice3A_37 = vector.extract_strided_slice %get3A_7 {offsets = [0, 1], sizes = [1024, 1], strides = [1, 1]} : vector<1024x4xf32> to vector<1024x1xf32>
    %slice3A_38 = vector.extract_strided_slice %get3A_7 {offsets = [0, 2], sizes = [1024, 1], strides = [1, 1]} : vector<1024x4xf32> to vector<1024x1xf32>
    %slice3A_39 = vector.extract_strided_slice %get3A_7 {offsets = [0, 3], sizes = [1024, 1], strides = [1, 1]} : vector<1024x4xf32> to vector<1024x1xf32>
    %mul3A = vector.broadcast %slice3A_36 : vector<1024x1xf32> to vector<1024x16xf32>
    %mul3A_40 = arith.mulf %slice3A_32, %mul3A : vector<1024x16xf32>
    %mul3A_41 = vector.broadcast %slice3A_37 : vector<1024x1xf32> to vector<1024x8xf32>
    %mul3A_42 = arith.mulf %slice3A_33, %mul3A_41 : vector<1024x8xf32>
    %mul3A_43 = vector.broadcast %slice3A_38 : vector<1024x1xf32> to vector<1024x8xf32>
    %mul3A_44 = arith.mulf %slice3A_34, %mul3A_43 : vector<1024x8xf32>
    %add3A_45 = arith.addf %mul3A_42, %mul3A_44 : vector<1024x8xf32>
    %mul3A_46 = vector.broadcast %slice3A_39 : vector<1024x1xf32> to vector<1024x8xf32>
    %mul3A_47 = arith.mulf %slice3A_35, %mul3A_46 : vector<1024x8xf32>
    %add3A_48 = arith.addf %add3A_45, %mul3A_47 : vector<1024x8xf32>
    %concatenate3A = tpu.concatenate %mul3A_40, %add3A_48 in 1 : vector<1024x16xf32>, vector<1024x8xf32> -> vector<1024x24xf32>
    %get3A_49 = arith.constant 0 : index
    %get3A_50 = arith.constant 0 : index
    %get3A_51 = vector.load %arg8[%get3A_49, %get3A_50] : memref<24x384xf32, #tpu.memory_space<vmem>>, vector<24x384xf32>
    %convert_element_type3A_52 = arith.truncf %concatenate3A : vector<1024x24xf32> to vector<1024x24xbf16>
    %convert_element_type3A_53 = arith.truncf %get3A_51 : vector<24x384xf32> to vector<24x384xbf16>
    %dot_general3A_54 = arith.constant dense<0.000000e+00> : vector<1024x384xf32>
    %dot_general3A_55 = tpu.matmul %convert_element_type3A_52, %convert_element_type3A_53, %dot_general3A_54 {dimension_numbers = #tpu.dot_dimension_numbers<[1], [0], [0], [1], [0, 0, 1, 1], [], []>, transpose_lhs_hint = false} : vector<1024x24xbf16>, vector<24x384xbf16>, vector<1024x384xf32> -> vector<1024x384xf32>
    %mul3A_56 = arith.mulf %dot_general3A_55, %slice3A : vector<1024x384xf32>
    %get3A_57 = arith.constant 0 : index
    %get3A_58 = arith.constant 0 : index
    %get3A_59 = vector.load %arg9[%get3A_57, %get3A_58] : memref<384x16xf32, #tpu.memory_space<vmem>>, vector<384x16xf32>
    %convert_element_type3A_60 = arith.truncf %mul3A_56 : vector<1024x384xf32> to vector<1024x384xbf16>
    %convert_element_type3A_61 = arith.truncf %get3A_59 : vector<384x16xf32> to vector<384x16xbf16>
    %dot_general3A_62 = arith.constant dense<0.000000e+00> : vector<1024x16xf32>
    %dot_general3A_63 = tpu.matmul %convert_element_type3A_60, %convert_element_type3A_61, %dot_general3A_62 {dimension_numbers = #tpu.dot_dimension_numbers<[1], [0], [0], [1], [0, 0, 1, 1], [], []>, transpose_lhs_hint = false} : vector<1024x384xbf16>, vector<384x16xbf16>, vector<1024x16xf32> -> vector<1024x16xf32>
    %mul3A_64 = vector.broadcast %slice3A_37 : vector<1024x1xf32> to vector<1024x16xf32>
    %mul3A_65 = arith.mulf %slice3A_32, %mul3A_64 : vector<1024x16xf32>
    %mul3A_66 = vector.broadcast %slice3A_36 : vector<1024x1xf32> to vector<1024x8xf32>
    %mul3A_67 = arith.mulf %slice3A_33, %mul3A_66 : vector<1024x8xf32>
    %concatenate3A_68 = tpu.concatenate %mul3A_65, %mul3A_67 in 1 : vector<1024x16xf32>, vector<1024x8xf32> -> vector<1024x24xf32>
    %get3A_69 = arith.constant 0 : index
    %get3A_70 = arith.constant 0 : index
    %get3A_71 = vector.load %arg10[%get3A_69, %get3A_70] : memref<24x192xf32, #tpu.memory_space<vmem>>, vector<24x192xf32>
    %convert_element_type3A_72 = arith.truncf %concatenate3A_68 : vector<1024x24xf32> to vector<1024x24xbf16>
    %convert_element_type3A_73 = arith.truncf %get3A_71 : vector<24x192xf32> to vector<24x192xbf16>
    %dot_general3A_74 = arith.constant dense<0.000000e+00> : vector<1024x192xf32>
    %dot_general3A_75 = tpu.matmul %convert_element_type3A_72, %convert_element_type3A_73, %dot_general3A_74 {dimension_numbers = #tpu.dot_dimension_numbers<[1], [0], [0], [1], [0, 0, 1, 1], [], []>, transpose_lhs_hint = false} : vector<1024x24xbf16>, vector<24x192xbf16>, vector<1024x192xf32> -> vector<1024x192xf32>
    %mul3A_76 = arith.mulf %dot_general3A_75, %slice3A_31 : vector<1024x192xf32>
    %get3A_77 = arith.constant 0 : index
    %get3A_78 = arith.constant 0 : index
    %get3A_79 = vector.load %arg11[%get3A_77, %get3A_78] : memref<192x8xf32, #tpu.memory_space<vmem>>, vector<192x8xf32>
    %convert_element_type3A_80 = arith.truncf %mul3A_76 : vector<1024x192xf32> to vector<1024x192xbf16>
    %convert_element_type3A_81 = arith.truncf %get3A_79 : vector<192x8xf32> to vector<192x8xbf16>
    %dot_general3A_82 = arith.constant dense<0.000000e+00> : vector<1024x8xf32>
    %dot_general3A_83 = tpu.matmul %convert_element_type3A_80, %convert_element_type3A_81, %dot_general3A_82 {dimension_numbers = #tpu.dot_dimension_numbers<[1], [0], [0], [1], [0, 0, 1, 1], [], []>, transpose_lhs_hint = false} : vector<1024x192xbf16>, vector<192x8xbf16>, vector<1024x8xf32> -> vector<1024x8xf32>
    %mul3A_84 = vector.broadcast %slice3A_38 : vector<1024x1xf32> to vector<1024x16xf32>
    %mul3A_85 = arith.mulf %slice3A_32, %mul3A_84 : vector<1024x16xf32>
    %mul3A_86 = vector.broadcast %slice3A_36 : vector<1024x1xf32> to vector<1024x8xf32>
    %mul3A_87 = arith.mulf %slice3A_34, %mul3A_86 : vector<1024x8xf32>
    %concatenate3A_88 = tpu.concatenate %mul3A_85, %mul3A_87 in 1 : vector<1024x16xf32>, vector<1024x8xf32> -> vector<1024x24xf32>
    %get3A_89 = arith.constant 0 : index
    %get3A_90 = arith.constant 0 : index
    %get3A_91 = vector.load %arg10[%get3A_89, %get3A_90] : memref<24x192xf32, #tpu.memory_space<vmem>>, vector<24x192xf32>
    %convert_element_type3A_92 = arith.truncf %concatenate3A_88 : vector<1024x24xf32> to vector<1024x24xbf16>
    %convert_element_type3A_93 = arith.truncf %get3A_91 : vector<24x192xf32> to vector<24x192xbf16>
    %dot_general3A_94 = arith.constant dense<0.000000e+00> : vector<1024x192xf32>
    %dot_general3A_95 = tpu.matmul %convert_element_type3A_92, %convert_element_type3A_93, %dot_general3A_94 {dimension_numbers = #tpu.dot_dimension_numbers<[1], [0], [0], [1], [0, 0, 1, 1], [], []>, transpose_lhs_hint = false} : vector<1024x24xbf16>, vector<24x192xbf16>, vector<1024x192xf32> -> vector<1024x192xf32>
    %mul3A_96 = arith.mulf %dot_general3A_95, %slice3A_31 : vector<1024x192xf32>
    %get3A_97 = arith.constant 0 : index
    %get3A_98 = arith.constant 0 : index
    %get3A_99 = vector.load %arg11[%get3A_97, %get3A_98] : memref<192x8xf32, #tpu.memory_space<vmem>>, vector<192x8xf32>
    %convert_element_type3A_100 = arith.truncf %mul3A_96 : vector<1024x192xf32> to vector<1024x192xbf16>
    %convert_element_type3A_101 = arith.truncf %get3A_99 : vector<192x8xf32> to vector<192x8xbf16>
    %dot_general3A_102 = arith.constant dense<0.000000e+00> : vector<1024x8xf32>
    %dot_general3A_103 = tpu.matmul %convert_element_type3A_100, %convert_element_type3A_101, %dot_general3A_102 {dimension_numbers = #tpu.dot_dimension_numbers<[1], [0], [0], [1], [0, 0, 1, 1], [], []>, transpose_lhs_hint = false} : vector<1024x192xbf16>, vector<192x8xbf16>, vector<1024x8xf32> -> vector<1024x8xf32>
    %mul3A_104 = vector.broadcast %slice3A_39 : vector<1024x1xf32> to vector<1024x16xf32>
    %mul3A_105 = arith.mulf %slice3A_32, %mul3A_104 : vector<1024x16xf32>
    %mul3A_106 = vector.broadcast %slice3A_36 : vector<1024x1xf32> to vector<1024x8xf32>
    %mul3A_107 = arith.mulf %slice3A_35, %mul3A_106 : vector<1024x8xf32>
    %concatenate3A_108 = tpu.concatenate %mul3A_105, %mul3A_107 in 1 : vector<1024x16xf32>, vector<1024x8xf32> -> vector<1024x24xf32>
    %get3A_109 = arith.constant 0 : index
    %get3A_110 = arith.constant 0 : index
    %get3A_111 = vector.load %arg10[%get3A_109, %get3A_110] : memref<24x192xf32, #tpu.memory_space<vmem>>, vector<24x192xf32>
    %convert_element_type3A_112 = arith.truncf %concatenate3A_108 : vector<1024x24xf32> to vector<1024x24xbf16>
    %convert_element_type3A_113 = arith.truncf %get3A_111 : vector<24x192xf32> to vector<24x192xbf16>
    %dot_general3A_114 = arith.constant dense<0.000000e+00> : vector<1024x192xf32>
    %dot_general3A_115 = tpu.matmul %convert_element_type3A_112, %convert_element_type3A_113, %dot_general3A_114 {dimension_numbers = #tpu.dot_dimension_numbers<[1], [0], [0], [1], [0, 0, 1, 1], [], []>, transpose_lhs_hint = false} : vector<1024x24xbf16>, vector<24x192xbf16>, vector<1024x192xf32> -> vector<1024x192xf32>
    %mul3A_116 = arith.mulf %dot_general3A_115, %slice3A_31 : vector<1024x192xf32>
    %get3A_117 = arith.constant 0 : index
    %get3A_118 = arith.constant 0 : index
    %get3A_119 = vector.load %arg11[%get3A_117, %get3A_118] : memref<192x8xf32, #tpu.memory_space<vmem>>, vector<192x8xf32>
    %convert_element_type3A_120 = arith.truncf %mul3A_116 : vector<1024x192xf32> to vector<1024x192xbf16>
    %convert_element_type3A_121 = arith.truncf %get3A_119 : vector<192x8xf32> to vector<192x8xbf16>
    %dot_general3A_122 = arith.constant dense<0.000000e+00> : vector<1024x8xf32>
    %dot_general3A_123 = tpu.matmul %convert_element_type3A_120, %convert_element_type3A_121, %dot_general3A_122 {dimension_numbers = #tpu.dot_dimension_numbers<[1], [0], [0], [1], [0, 0, 1, 1], [], []>, transpose_lhs_hint = false} : vector<1024x192xbf16>, vector<192x8xbf16>, vector<1024x8xf32> -> vector<1024x8xf32>
    %broadcast_in_dim3A = arith.constant 1.000000e+00 : f32
    %broadcast_in_dim3A_124 = vector.broadcast %broadcast_in_dim3A : f32 to vector<1024x1xf32>
    %broadcast_in_dim3A_125 = arith.constant 0.000000e+00 : f32
    %broadcast_in_dim3A_126 = vector.broadcast %broadcast_in_dim3A_125 : f32 to vector<1024x87xf32>
    %concatenate3A_127 = tpu.concatenate %dot_general3A_63, %dot_general3A_83, %dot_general3A_103, %dot_general3A_123, %broadcast_in_dim3A_124, %broadcast_in_dim3A_126 in 1 : vector<1024x16xf32>, vector<1024x8xf32>, vector<1024x8xf32>, vector<1024x8xf32>, vector<1024x1xf32>, vector<1024x87xf32> -> vector<1024x128xf32>
    %swap3A = arith.constant 0 : index
    %swap3A_128 = arith.constant 0 : index
    %swap3A_129 = vector.load %arg12[%swap3A, %swap3A_128] : memref<1024x128xf32, #tpu.memory_space<vmem>>, vector<1024x128xf32>
    tpu.vector_store %arg12[%swap3A, %swap3A_128], %concatenate3A_127 {strides = array<i32>} : memref<1024x128xf32, #tpu.memory_space<vmem>>, vector<1024x128xf32>,
    return
  }
  func.func @transform_0(%arg0: i32) -> (i32, i32) {
    %c0_i32 = arith.constant 0 : i32
    %c0_i32_0 = arith.constant 0 : i32
    return %arg0, %c0_i32 : i32, i32
  }
  func.func @transform_1(%arg0: i32) -> (i32, i32) {
    %c0_i32 = arith.constant 0 : i32
    %c0_i32_0 = arith.constant 0 : i32
    return %arg0, %c0_i32 : i32, i32
  }
  func.func @transform_2(%arg0: i32) -> (i32, i32) {
    %c0_i32 = arith.constant 0 : i32
    %c0_i32_0 = arith.constant 0 : i32
    return %arg0, %c0_i32 : i32, i32
  }
  func.func @transform_3(%arg0: i32) -> (i32, i32) {
    %c0_i32 = arith.constant 0 : i32
    %c0_i32_0 = arith.constant 0 : i32
    %c0_i32_1 = arith.constant 0 : i32
    return %c0_i32, %c0_i32_0 : i32, i32
  }
  func.func @transform_4(%arg0: i32) -> (i32, i32) {
    %c0_i32 = arith.constant 0 : i32
    %c0_i32_0 = arith.constant 0 : i32
    %c0_i32_1 = arith.constant 0 : i32
    return %c0_i32, %c0_i32_0 : i32, i32
  }
  func.func @transform_5(%arg0: i32) -> (i32, i32) {
    %c0_i32 = arith.constant 0 : i32
    %c0_i32_0 = arith.constant 0 : i32
    %c0_i32_1 = arith.constant 0 : i32
    return %c0_i32, %c0_i32_0 : i32, i32
  }
  func.func @transform_6(%arg0: i32) -> (i32, i32) {
    %c0_i32 = arith.constant 0 : i32
    %c0_i32_0 = arith.constant 0 : i32
    %c0_i32_1 = arith.constant 0 : i32
    return %c0_i32, %c0_i32_0 : i32, i32
  }
  func.func @transform_7(%arg0: i32) -> (i32, i32) {
    %c0_i32 = arith.constant 0 : i32
    %c0_i32_0 = arith.constant 0 : i32
    %c0_i32_1 = arith.constant 0 : i32
    return %c0_i32, %c0_i32_0 : i32, i32
  }
  func.func @transform_8(%arg0: i32) -> (i32, i32) {
    %c0_i32 = arith.constant 0 : i32
    %c0_i32_0 = arith.constant 0 : i32
    %c0_i32_1 = arith.constant 0 : i32
    return %c0_i32, %c0_i32_0 : i32, i32
  }
  func.func @transform_9(%arg0: i32) -> (i32, i32) {
    %c0_i32 = arith.constant 0 : i32
    %c0_i32_0 = arith.constant 0 : i32
    %c0_i32_1 = arith.constant 0 : i32
    return %c0_i32, %c0_i32_0 : i32, i32
  }
  func.func @transform_10(%arg0: i32) -> (i32, i32) {
    %c0_i32 = arith.constant 0 : i32
    %c0_i32_0 = arith.constant 0 : i32
    %c0_i32_1 = arith.constant 0 : i32
    return %c0_i32, %c0_i32_0 : i32, i32
  }
  func.func @transform_11(%arg0: i32) -> (i32, i32) {
    %c0_i32 = arith.constant 0 : i32
    %c0_i32_0 = arith.constant 0 : i32
    return %arg0, %c0_i32 : i32, i32
  }
}

module attributes {stable_mosaic.version = 14 : i64} {
  func.func @_epilogue_kernel(%arg0: i32, %arg1: memref<2x1256x128xf32, #tpu.memory_space<vmem>>, %arg2: memref<1256x40xf32, #tpu.memory_space<vmem>>, %arg3: memref<40x40xf32, #tpu.memory_space<vmem>>, %arg4: memref<1256x40xf32, #tpu.memory_space<vmem>>) attributes {dimension_semantics = [#tpu.dimension_semantics<parallel>], iteration_bounds = array<i64: 8>, scalar_prefetch = 0 : i64, scratch_operands = 0 : i64, tpu.core_type = #tpu.core_type<tc>, window_params = [{transform_indices = @transform_0, window_bounds = array<i64: 2, 1256, 128>}, {transform_indices = @transform_1, window_bounds = array<i64: 1256, 40>}, {pipeline_mode = #tpu.pipeline_mode<synchronous>, transform_indices = @transform_2, window_bounds = array<i64: 40, 40>}, {transform_indices = @transform_3, window_bounds = array<i64: 1256, 40>}]} {
    %get3A = arith.constant 0 : index
    %get3A_0 = arith.constant 0 : index
    %get3A_1 = arith.constant 0 : index
    %get3A_2 = vector.load %arg1[%get3A, %get3A_0, %get3A_1] : memref<2x1256x128xf32, #tpu.memory_space<vmem>>, vector<1x1256x128xf32>
    %get3A_3 = vector.shape_cast %get3A_2 : vector<1x1256x128xf32> to vector<1256x128xf32>
    %get3A_4 = arith.constant 1 : index
    %get3A_5 = arith.constant 0 : index
    %get3A_6 = arith.constant 0 : index
    %get3A_7 = vector.load %arg1[%get3A_4, %get3A_5, %get3A_6] : memref<2x1256x128xf32, #tpu.memory_space<vmem>>, vector<1x1256x128xf32>
    %get3A_8 = vector.shape_cast %get3A_7 : vector<1x1256x128xf32> to vector<1256x128xf32>
    %add3A = arith.addf %get3A_3, %get3A_8 : vector<1256x128xf32>
    %slice3A = vector.extract_strided_slice %add3A {offsets = [0, 40], sizes = [1256, 1], strides = [1, 1]} : vector<1256x128xf32> to vector<1256x1xf32>
    %slice3A_9 = vector.extract_strided_slice %add3A {offsets = [0, 0], sizes = [1256, 40], strides = [1, 1]} : vector<1256x128xf32> to vector<1256x40xf32>
    %max3A = arith.constant 1.000000e+00 : f32
    %max3A_10 = vector.broadcast %max3A : f32 to vector<1256x1xf32>
    %max3A_11 = arith.maximumf %slice3A, %max3A_10 : vector<1256x1xf32>
    %div3A = vector.broadcast %max3A_11 : vector<1256x1xf32> to vector<1256x40xf32>
    %div3A_12 = arith.divf %slice3A_9, %div3A : vector<1256x40xf32>
    %get3A_13 = arith.constant 0 : index
    %get3A_14 = arith.constant 0 : index
    %get3A_15 = vector.load %arg3[%get3A_13, %get3A_14] : memref<40x40xf32, #tpu.memory_space<vmem>>, vector<40x40xf32>
    %dot_general3A = arith.constant dense<0.000000e+00> : vector<1256x40xf32>
    %dot_general3A_16 = tpu.matmul %div3A_12, %get3A_15, %dot_general3A {dimension_numbers = #tpu.dot_dimension_numbers<[1], [0], [0], [1], [0, 0, 1, 1], [], []>, transpose_lhs_hint = false} : vector<1256x40xf32>, vector<40x40xf32>, vector<1256x40xf32> -> vector<1256x40xf32>
    %get3A_17 = arith.constant 0 : index
    %get3A_18 = arith.constant 0 : index
    %get3A_19 = vector.load %arg2[%get3A_17, %get3A_18] : memref<1256x40xf32, #tpu.memory_space<vmem>>, vector<1256x40xf32>
    %add3A_20 = arith.addf %dot_general3A_16, %get3A_19 : vector<1256x40xf32>
    %swap3A = arith.constant 0 : index
    %swap3A_21 = arith.constant 0 : index
    %swap3A_22 = vector.load %arg4[%swap3A, %swap3A_21] : memref<1256x40xf32, #tpu.memory_space<vmem>>, vector<1256x40xf32>
    tpu.vector_store %arg4[%swap3A, %swap3A_21], %add3A_20 {strides = array<i32>} : memref<1256x40xf32, #tpu.memory_space<vmem>>, vector<1256x40xf32>,
    return
  }
  func.func @transform_0(%arg0: i32) -> (i32, i32, i32) {
    %c0_i32 = arith.constant 0 : i32
    %c0_i32_0 = arith.constant 0 : i32
    %c0_i32_1 = arith.constant 0 : i32
    return %c0_i32, %arg0, %c0_i32_0 : i32, i32, i32
  }
  func.func @transform_1(%arg0: i32) -> (i32, i32) {
    %c0_i32 = arith.constant 0 : i32
    %c0_i32_0 = arith.constant 0 : i32
    return %arg0, %c0_i32 : i32, i32
  }
  func.func @transform_2(%arg0: i32) -> (i32, i32) {
    %c0_i32 = arith.constant 0 : i32
    %c0_i32_0 = arith.constant 0 : i32
    %c0_i32_1 = arith.constant 0 : i32
    return %c0_i32, %c0_i32_0 : i32, i32
  }
  func.func @transform_3(%arg0: i32) -> (i32, i32) {
    %c0_i32 = arith.constant 0 : i32
    %c0_i32_0 = arith.constant 0 : i32
    return %arg0, %c0_i32 : i32, i32
  }
}

</mosaic_0001>

<sc_bundles>
// kernel: kernel.6.cloned.1.call-start
scs
__scs_entry_jumppad:
0x0: {  	(pc) =	sbr.rel $0x88, $3  }
0x1: {  	(tag) =	ssettag $0x0;
	lr =	simm.s32 $0x1  }
0x2: {  	[smem:$0x3F99] =	sst lr;
	_ =	strace $0xD0000000  }
0x3: {  	_ = 	snop  }
0x4: {  	_ = 	snop  }
0x5: {  	_ = 	snop  }
0x6: {  	_ = 	snop  }
0x7: {  	_ = 	snop  }
__scs_overlays_trampoline_lowered:
0x8: {  	[smem:$0x3FA8] =	sst s0  }
0x9: {  	[smem:$0x3FA9] =	sst s1  }
0xa: {  	[smem:$0x3FAA] =	sst s2  }
0xb: {  	[smem:$0x3FAB] =	sst s3  }
0xc: {  	[smem:$0x3FAC] =	sst s4  }
0xd: {  	[smem:$0x3FAD] =	sst s5  }
0xe: {  	[smem:$0x3FAE] =	sst s6  }
0xf: {  	[smem:$0x3FAF] =	sst s7  }
0x10: {  	[smem:$0x3FB0] =	sst s8  }
0x11: {  	[smem:$0x3FB1] =	sst s9;
	s0 =	simm.s32 @!p0 $0x0  }
0x12: {  	s1 =	sld [smem:$0x3F97];
	s0 =	simm.s32 @p0 $0x1  }
0x13: {  	[smem:$0x3FB2] =	sst s0;
	s0 =	simm.s32 @!p1 $0x0  }
0x14: {  	s2 =	sld [smem:$0x3F96];
	s0 =	simm.s32 @p1 $0x1  }
0x15: {  	[smem:$0x3FB3] =	sst s0;
	s0 =	simm.s32 @!p2 $0x0  }
0x16: {  	s3 =	sld [smem:$0x3FDB];
	s0 =	simm.s32 @p2 $0x1  }
0x17: {  	s4 =	simm.s32 $0x1BF5;
	[smem:$0x3FB5] =	sst s0  }
0x18: {  	s0 =	sld [smem:$0x3F98];
	_ =	swait.ge [sflag:s4], $0x0  }
0x19: {  	s7 =	sld [smem:$0x3F99]  }
0x1a: {  	s8 =	sadd.s32 $0xFFFFE003, lr  }
0x1b: {  	s9 =	sadd.s32 $0xFFFFFEF7, lr;
	s5 =	simm.s32 $0xFFFFFFFF;
	p2 =	slt.u32 s8, $0xFFFFF086  }
0x1c: {  	p1 =	slt.u32 s9, $0xF7A;
	s5 =	simm.s32 @!p2 $0x0  }
0x1d: {  	s5 =	simm.s32 @p1 $0x1;
	p0 =	seq.s32 s7, s2  }
0x1e: {  	s7 =	smul.u32 @!p0 $0xF7A, s2;
	p2 =	seq.s32 @!p0 s5, $0x0  }
0x1f: {  	s9 =	smul.u32 $0xF7A, s1;
	s8 =	simm.s32 @!p0 $0x1BF5;
	p2 =	por !p2, p0  }
0x20: {  	[sflag:s8] =	ssyncset.s32 @!p0 $0xFFFFF086;
	s6 =	sadd.s32 @!p0 s3, s7;
	s7 =	simm.s32 @!p0 $0x108  }
0x21: {  	s3 =	sadd.s32 s3, s9;
	s6 =	sadd.s32 @!p0 $0x88, s6;
	s7 =	simm.s32 @p2 $0x1082  }
0x22: {  	[simem:s7], [sflag:s8] =	dma.local @!p0 [hbm:s6], $0xF7A  }
0x23: {  	s9 =	sor.u32 $0xD0000000, s2;
	s6 =	simm.s32 $0x108;
	_ =	swait.ge @!p0 [sflag:s8], $0x0  }
0x24: {  	s3 =	sadd.s32 $0x88, s3;
	s6 =	simm.s32 @!p1 $0x1082;
	[sflag:s4] =	ssyncset.s32 $0xFFFFF086  }
0x25: {  	[simem:s6], [sflag:s4] =	dma.local [hbm:s3], $0xF7A  }
0x26: {  	[smem:$0x3F99] =	sst s1;
	(tag) =	ssettag s2;
	_ =	strace s9  }
0x27: {  	s1 =	sld [smem:$0x3FA9]  }
0x28: {  	s2 =	sld [smem:$0x3FAA]  }
0x29: {  	s4 =	sld [smem:$0x3FAC]  }
0x2a: {  	p0 =	seq.s32 s5, $0x0;
	s5 =	sld [smem:$0x3FAD]  }
0x2b: {  	s6 =	sld [smem:$0x3FAE]  }
0x2c: {  	s7 =	sld [smem:$0x3FAF]  }
0x2d: {  	s3 =	simm.s32 $0x108;
	s8 =	sld [smem:$0x3FB0]  }
0x2e: {  	s3 =	simm.s32 @!p0 $0x1082;
	s9 =	sld [smem:$0x3FB1]  }
0x2f: {  	lr =	sadd.s32 s0, s3;
	s0 =	sld [smem:$0x3FA8]  }
0x30: {  	s3 =	sld [smem:$0x3FAB]  }
0x31: {  	[smem:$0x3FB4] =	sst s10  }
0x32: {  	s10 =	sld [smem:$0x3FB2];
	_ =	sdelay $0x3  }
0x33: {  	p0 =	seq.s32 s10, $0x1;
	s10 =	sld [smem:$0x3FB4];
	_ =	sdelay $0x3  }
0x34: {  	[smem:$0x3FB4] =	sst s10  }
0x35: {  	s10 =	sld [smem:$0x3FB3];
	_ =	sdelay $0x3  }
0x36: {  	p1 =	seq.s32 s10, $0x1;
	s10 =	sld [smem:$0x3FB4];
	_ =	sdelay $0x3  }
0x37: {  	[smem:$0x3FB4] =	sst s10  }
0x38: {  	s10 =	sld [smem:$0x3FB5]  }
0x39: {  	_ = 	snop;
	(pc) =	sbr.ind lr, $3  }
0x3a: {  	_ = 	snop  }
0x3b: {  	_ = 	snop  }
0x3c: {  	p2 =	seq.s32 s10, $0x1;
	s10 =	sld [smem:$0x3FB4]  }
0x3d: {  	_ =	shalt  }
0x3e: {  	_ =	shalt  }
0x3f: {  	_ =	shalt  }
0x40: {  	_ =	shalt  }
0x41: {  	_ =	shalt  }
0x42: {  	_ =	shalt  }
0x43: {  	_ =	shalt  }
0x44: {  	_ =	shalt  }
0x45: {  	_ =	shalt  }
0x46: {  	_ =	shalt  }
0x47: {  	_ =	shalt  }
0x48: {  	_ =	shalt  }
0x49: {  	_ =	shalt  }
0x4a: {  	_ =	shalt  }
0x4b: {  	_ =	shalt  }
0x4c: {  	_ =	shalt  }
0x4d: {  	_ =	shalt  }
0x4e: {  	_ =	shalt  }
0x4f: {  	_ =	shalt  }
0x50: {  	_ =	shalt  }
0x51: {  	_ =	shalt  }
0x52: {  	_ =	shalt  }
0x53: {  	_ =	shalt  }
0x54: {  	_ =	shalt  }
0x55: {  	_ =	shalt  }
0x56: {  	_ =	shalt  }
0x57: {  	_ =	shalt  }
0x58: {  	_ =	shalt  }
0x59: {  	_ =	shalt  }
0x5a: {  	_ =	shalt  }
0x5b: {  	_ =	shalt  }
0x5c: {  	_ =	shalt  }
0x5d: {  	_ =	shalt  }
0x5e: {  	_ =	shalt  }
0x5f: {  	_ =	shalt  }
0x60: {  	_ =	shalt  }
0x61: {  	_ =	shalt  }
0x62: {  	_ =	shalt  }
0x63: {  	_ =	shalt  }
0x64: {  	_ =	shalt  }
0x65: {  	_ =	shalt  }
0x66: {  	_ =	shalt  }
0x67: {  	_ =	shalt  }
0x68: {  	_ =	shalt  }
0x69: {  	_ =	shalt  }
0x6a: {  	_ =	shalt  }
0x6b: {  	_ =	shalt  }
0x6c: {  	_ =	shalt  }
0x6d: {  	_ =	shalt  }
0x6e: {  	_ =	shalt  }
0x6f: {  	_ =	shalt  }
0x70: {  	_ =	shalt  }
0x71: {  	_ =	shalt  }
0x72: {  	_ =	shalt  }
0x73: {  	_ =	shalt  }
0x74: {  	_ =	shalt  }
0x75: {  	_ =	shalt  }
0x76: {  	_ =	shalt  }
0x77: {  	_ =	shalt  }
0x78: {  	_ =	shalt  }
0x79: {  	_ =	shalt  }
0x7a: {  	_ =	shalt  }
0x7b: {  	_ =	shalt  }
0x7c: {  	_ =	shalt  }
0x7d: {  	_ =	shalt  }
0x7e: {  	_ =	shalt  }
0x7f: {  	_ =	shalt  }
0x80: {  	_ =	shalt  }
0x81: {  	_ =	shalt  }
0x82: {  	_ =	shalt  }
0x83: {  	_ =	shalt  }
0x84: {  	_ =	shalt  }
0x85: {  	_ =	shalt  }
0x86: {  	_ =	shalt  }
0x87: {  	_ =	shalt  }
.Lfunc_end0:
.L_simem_size_0:
called_computation_lowered:
.L_overlay_start_0:
0x88: {  	s2 =	sld [smem:$0x3FD9]  }
0x89: {  	s3 =	sld [smem:$0x3FFE];
	_ =	sdelay $0x1  }
0x8a: {  	s1 =	srdreg.scid  }
0x8b: {  	s0 =	sand.u32 $0x1, s1  }
0x8c: {  	s17 =	sshll.u32 s0, $0xA;
	s2 =	sadd.s32 s3, s2  }
0x8d: {  	s2 =	sadd.s32 s2, s17  }
0x8e: {  	[smem:$0x3FC0] =	sst s2  }
0x8f: {  	_ = 	snop  }
0x90: {  	s2 =	sld [smem:$0x3FD0];
	(tm) =	ssettm $0x1  }
0x91: {  	s18 =	sld [smem:$0x3FFB];
	_ =	sdelay $0x3  }
0x92: {  	_ =	strace s18  }
0x93: {  	s3 =	sld [smem:$0x3FFC];
	_ =	sdelay $0x3  }
0x94: {  	_ =	strace s3  }
0x95: {  	s3 =	sld [smem:$0x3FFD];
	_ =	sdelay $0x3  }
0x96: {  	_ =	strace s3  }
0x97: {  	_ =	strace $0x8FFFFFFF  }
0x98: {  	s19 =	sld [smem:$0x3FDB];
	_ =	sdelay $0x1  }
0x99: {  	s4 =	simm.s32 $_scs_section_size  }
0x9a: {  	s5 =	simm.s32 $_size__tile_overlayer_lowered;
	s6 =	simm.s32 $_tile_overlayer_lowered  }
0x9b: {  	s22 =	simm.s32 $0x1BFF;
	s21 =	sshll.u32 s6, $0x1;
	s3 =	sadd.s32 s4, s19  }
0x9c: {  	s7 =	simm.s32 $0x0;
	s20 =	sshll.u32 s5, $0x1;
	s5 =	sadd.s32 s21, s3  }
0x9d: {  	[timem:s7], [sflag:s22] =	dma.local [hbm:s5], s20  }
0x9e: {  	_ =	swait.ge [sflag:s22], s20  }
0x9f: {  	s4 =	ssub.s32 $0x0, s20;
	[sflag:s22] =	ssyncset.done $0x0  }
0xa0: {  	[sflag:s22] =	ssyncadd.s32 s4;
	_ =	sdelay $0x1  }
0xa1: {  	s23 =	simm.s32 $0x1B8B  }
0xa2: {  	_ =	swait.ge [sflag:s23], $0x1  }
0xa3: {  	[sflag:s23] =	ssyncset.done $0x0  }
0xa4: {  	s25 =	simm.s32 $0x1B8E;
	s24 =	sld [smem:$0x3FFE];
	[sflag:s23] =	ssyncadd.s32 $0xFFFFFFFF  }
0xa5: {  	s26 =	simm.s32 $execute0_lowered;
	[smem:$0x3FD2] =	sst s25  }
0xa6: {  	s5 =	sshll.u32 s26, $0x1;
	_ =	strace $0x80000046;
	[dreg:$0x1] =	wrdreg $0xFFFFFFFF  }
0xa7: {  	s28 =	simm.s32 $_size_execute0_lowered;
	s3 =	sadd.s32 s3, s5;
	[dreg:$0x0] =	wrdreg $0x0  }
0xa8: {  	s5 =	sshll.u32 s28, $0x1;
	[dreg:$0x2] =	wrdreg s3  }
0xa9: {  	[dreg:$0x3] =	wrdreg s5  }
0xaa: {  	[dreg:$0x4] =	wrdreg $0xC0  }
0xab: {  	_ =	task [dreg:s7], $0x5FFFF  }
0xac: {  	[dreg:$0x1] =	wrdreg $0xFFFFFFFF  }
0xad: {  	[dreg:$0x0] =	wrdreg $0x60  }
0xae: {  	[dreg:$0x2] =	wrdreg s24  }
0xaf: {  	[dreg:$0x3] =	wrdreg s2  }
0xb0: {  	[dreg:$0x4] =	wrdreg $0x9  }
0xb1: {  	_ =	task.clear_ibuf [dreg:s7], $0x5FFFF;
	_ =	strace $0x90000046  }
0xb2: {  	s29 =	simm.s32 $0x9;
	_ =	strace $0x80000048  }
0xb3: {  	_ =	swait.ge [sflag:s29], $0x1  }
0xb4: {  	[sflag:s29] =	ssyncadd.s32 $0xFFFFFFFF  }
0xb5: {  	_ =	strace $0x90000048  }
0xb6: {  	_ =	sfence  }
0xb7: {  	s30 =	sld [smem:$0x0];
	_ =	sdelay $0x2  }
0xb8: {  	s31 =	sshll.u32 s1, $0xD;
	s1 =	sshrl.u32 s1, $0x2  }
0xb9: {  	s3 =	sand.u32 $0x4000, s31;
	s1 =	sadd.s32 s1, s30  }
0xba: {  	s0 =	sor.u32 s3, s0;
	s1 =	sshll.u32 s1, $0x11  }
0xbb: {  	s0 =	sor.u32 s1, s0  }
0xbc: {  	s0 =	sadd.s32 $0x8F2B, s0  }
0xbd: {  	[sflag:s0] =	ssyncadd.remote.s32 $0x1  }
0xbe: {  	_ =	sfence.sel $0xFFFF  }
0xbf: {  	[dreg:$0x0] =	wrdreg $0xFFFFFFFF;
	(pc) =	sbr.abs _section_cstart, $3  }
0xc0: {  	[dreg:$0x1] =	wrdreg $0xFFFFFFFF  }
0xc1: {  	_ =	task.clear_ibuf [dreg:s7], $0x2FFFF;
	_ =	strace $0x9FFFFFFF  }
0xc2: {  	(tm) =	ssettm $0x7FFFFFFF  }
0xc3: {  	_ =	shalt  }
tec
execute0_lowered:
.L_overlay_start_1:
0x0: {  	(tag) =	ssettag $0x1  }
0x1: {  	s0 =	srdreg.scid;
	s4 =	rddreg [dreg:$0x0]  }
0x2: {  	s5 =	rddreg [dreg:$0x1];
	s1 =	stileid.u32;
	s2 =	simm.s32 $0x0  }
0x3: {  	s15 =	simm.s32 $0x1;
	s16 =	simm.s32 $0x5400;
	s17 =	simm.s32 $0x2  }
0x4: {  	s18 =	simm.s32 $0x100;
	s19 =	simm.s32 $0x3;
	s25 =	smul.u32 $0xA0000, s1  }
0x5: {  	s20 =	simm.s32 $0x4;
	s7 =	sand.u32 $0x1, s0;
	s30 =	smul.u32 $0x14000, s1  }
0x6: {  	s0 =	rddreg [dreg:$0x2];
	s3 =	sshll.u32 s7, $0x4;
	s22 =	smul.u32 $0xA00000, s7  }
0x7: {  	[smem:$0x7FF] =	sst s2;
	s29 =	smul.u32 $0x140000, s7;
	s6 =	sor.u32 s1, s3  }
0x8: {  	s13 =	sadd.s32 $0x2EA00, s4;
	s9 =	ssub.s32 $0x2, s7;
	s8 =	smul.u32 $0x1400, s6  }
0x9: {  	_ =	strace $0x80000047;
	s11 =	sshrl.u32 s9, $0x1;
	s10 =	smul.u32 $0xA0000, s6  }
0xa: {  	s3 =	sadd.s32 $0x7800, s4;
	s12 =	smul.u32 $0x14000, s6;
	s21 =	ssub.s32 s9, s11  }
0xb: {  	s28 =	sadd.s32 s25, s22;
	s14 =	sadd.s32 s29, s13;
	s22 =	simm.s32 $0x0  }
0xc: {  	s31 =	sadd.s32 s30, s14;
	s14 =	simm.s32 $0x1400;
	s23 =	sshrl.u32 s8, $0x3  }
0xd: {  	s24 =	sshrl.u32 s10, $0x3;
	s26 =	sadd.s32 s13, s12;
	s10 =	sor.u32 $0x8000, s28  }
0xe: {  	s11 =	sadd.s32 $0x1800, s31;
	s12 =	simm.s32 $0x5;
	s4 =	sadd.s32 s5, s23  }
0xf: {  	s5 =	smax.u32 s21, $0x1;
	s6 =	sadd.s32 s13, s24;
	s7 =	sadd.s32 $0x800, s26  }
0x10: {  	s10 =	sshrl.u32 s10, $0x3;
	s9 =	sadd.s32 $0x13800, s26;
	s21 =	simm.s32 $0x1380  }
0x11: {  	s8 =	sadd.s32 $0x13000, s6;
	s10 =	sadd.s32 s10, s13;
	s13 =	simm.s32 $0x80  }
.LBB2_1:
0x12: {  	[tilespmem:s2], [sflag:$0x5] =	stream.linear.gather [hbm4b:s4+s2], $0x1400, $0x38;
	[tilespmem:$0x9400] =	vst v63  }
0x13: {  	_ =	swait.ge [sflag:s12], $0x1400  }
0x14: {  	[sflag:s12] =	ssyncset.done $0x0  }
0x15: {  	[sflag:s12] =	ssyncadd.s32 $0xFFFFEC00  }
0x16: {  	[tilespmem:s14], [sflag:$0x1] =	stream.indirect.gather [hbm4b:s3+s13], $0x80, s2, s13, $0xb8;
	[tilespmem:$0x9400] =	vst v63  }
0x17: {  	_ =	swait.ge [sflag:s15], $0x4000  }
0x18: {  	[sflag:s15] =	ssyncset.done $0x0  }
0x19: {  	[sflag:s15] =	ssyncadd.s32 $0xFFFFC000  }
0x1a: {  	[tilespmem:s16], [sflag:$0x2] =	stream.indirect.gather [hbm4b:s3+s13], $0x80, s13, s13, $0xb8;
	[tilespmem:$0x9400] =	vst v63  }
0x1b: {  	_ = 	snop  }
0x1c: {  	[hbm4b:s6+s2] =	stream.linear.scatter [tilespmem:s14], [sflag:$0x3], $0x4000, $0x38;
	[tilespmem:$0x9400] =	vst v63  }
0x1d: {  	_ =	swait.ge [sflag:s17], $0x4000  }
0x1e: {  	[sflag:s17] =	ssyncset.done $0x0  }
0x1f: {  	[sflag:s17] =	ssyncadd.s32 $0xFFFFC000  }
0x20: {  	[tilespmem:s14], [sflag:$0x1] =	stream.indirect.gather [hbm4b:s3+s13], $0x80, s18, s13, $0xb8;
	[tilespmem:$0x9400] =	vst v63  }
0x21: {  	_ = 	snop  }
0x22: {  	[hbm4b:s7+s2] =	stream.linear.scatter [tilespmem:s16], [sflag:$0x4], $0x4000, $0x38;
	[tilespmem:$0x9400] =	vst v63  }
0x23: {  	_ =	swait.ge [sflag:s15], $0x4000  }
0x24: {  	[sflag:s15] =	ssyncset.done $0x0  }
0x25: {  	s23 =	simm.s32 $0x180;
	[sflag:s15] =	ssyncadd.s32 $0xFFFFC000  }
0x26: {  	[tilespmem:s16], [sflag:$0x2] =	stream.indirect.gather [hbm4b:s3+s13], $0x80, s23, s13, $0xb8;
	[tilespmem:$0x9400] =	vst v63  }
0x27: {  	_ =	swait.ge [sflag:s19], $0x4000  }
0x28: {  	[sflag:s19] =	ssyncset.done $0x0  }
0x29: {  	s30 =	sadd.s32 $0x0, s10;
	[sflag:s19] =	ssyncadd.s32 $0xFFFFC000  }
0x2a: {  	[hbm4b:s30+s2] =	stream.linear.scatter [tilespmem:s14], [sflag:$0x3], $0x4000, $0x38;
	[tilespmem:$0x9400] =	vst v63  }
0x2b: {  	_ =	swait.ge [sflag:s17], $0x4000  }
0x2c: {  	[sflag:s17] =	ssyncset.done $0x0  }
0x2d: {  	s31 =	simm.s32 $0x200;
	[sflag:s17] =	ssyncadd.s32 $0xFFFFC000  }
0x2e: {  	[tilespmem:s14], [sflag:$0x1] =	stream.indirect.gather [hbm4b:s3+s13], $0x80, s31, s13, $0xb8;
	[tilespmem:$0x9400] =	vst v63  }
0x2f: {  	_ =	swait.ge [sflag:s20], $0x4000  }
0x30: {  	s25 =	sadd.s32 $0x0, s11;
	[sflag:s20] =	ssyncset.done $0x0  }
0x31: {  	s24 =	simm.s32 $0x300;
	s23 =	simm.s32 $0x1000;
	[sflag:s20] =	ssyncadd.s32 $0xFFFFC000  }
.LBB2_2:
0x32: {  	[hbm4b:s25+s2] =	stream.linear.scatter [tilespmem:s16], [sflag:$0x4], $0x4000, $0x38;
	[tilespmem:$0x9400] =	vst v63  }
0x33: {  	s25 =	smov.u32 s23  }
0x34: {  	p0 =	sne.s32 s23, $0x11000;
	s23 =	sadd.s32 $0x1000, s23;
	_ =	swait.ge [sflag:s15], $0x4000  }
0x35: {  	[sflag:s15] =	ssyncset.done $0x0  }
0x36: {  	s26 =	sadd.s32 $0xFFFFFF80, s24;
	[sflag:s15] =	ssyncadd.s32 $0xFFFFC000  }
0x37: {  	[tilespmem:s16], [sflag:$0x2] =	stream.indirect.gather [hbm4b:s3+s13], $0x80, s26, s13, $0xb8;
	[tilespmem:$0x9400] =	vst v63  }
0x38: {  	_ =	swait.ge [sflag:s19], $0x4000  }
0x39: {  	[sflag:s19] =	ssyncset.done $0x0  }
0x3a: {  	s26 =	sadd.s32 s25, s10;
	[sflag:s19] =	ssyncadd.s32 $0xFFFFC000  }
0x3b: {  	[hbm4b:s26+s2] =	stream.linear.scatter [tilespmem:s14], [sflag:$0x3], $0x4000, $0x38;
	[tilespmem:$0x9400] =	vst v63  }
0x3c: {  	_ =	swait.ge [sflag:s17], $0x4000  }
0x3d: {  	[sflag:s17] =	ssyncset.done $0x0  }
.Ltmp0:
0x3e: {  	[sflag:s17] =	ssyncadd.s32 $0xFFFFC000;
	(pc) =	sbr.rel @p0 .LBB2_2-.Ltmp0, $4  }
0x3f: {  	[tilespmem:s14], [sflag:$0x1] =	stream.indirect.gather [hbm4b:s3+s13], $0x80, s24, s13, $0xb8;
	[tilespmem:$0x9400] =	vst v63  }
0x40: {  	_ =	swait.ge [sflag:s20], $0x4000  }
0x41: {  	[sflag:s20] =	ssyncset.done $0x0  }
0x42: {  	s25 =	sadd.s32 s25, s11;
	s24 =	sadd.s32 $0x100, s24;
	[sflag:s20] =	ssyncadd.s32 $0xFFFFC000  }
0x43: {  	[hbm4b:s25+s2] =	stream.linear.scatter [tilespmem:s16], [sflag:$0x4], $0x4000, $0x38;
	[tilespmem:$0x9400] =	vst v63  }
0x44: {  	_ =	swait.ge [sflag:s15], $0x4000  }
0x45: {  	[sflag:s15] =	ssyncset.done $0x0  }
0x46: {  	[sflag:s15] =	ssyncadd.s32 $0xFFFFC000  }
0x47: {  	[tilespmem:s16], [sflag:$0x2] =	stream.indirect.gather [hbm4b:s3+s13], $0x80, s21, s13, $0xb8;
	[tilespmem:$0x9400] =	vst v63  }
0x48: {  	_ =	swait.ge [sflag:s19], $0x4000  }
0x49: {  	[sflag:s19] =	ssyncset.done $0x0  }
0x4a: {  	[sflag:s19] =	ssyncadd.s32 $0xFFFFC000  }
0x4b: {  	[hbm4b:s8+s2] =	stream.linear.scatter [tilespmem:s14], [sflag:$0x3], $0x4000, $0x38;
	[tilespmem:$0x9400] =	vst v63  }
0x4c: {  	_ =	swait.ge [sflag:s17], $0x4000  }
0x4d: {  	[sflag:s17] =	ssyncset.done $0x0  }
0x4e: {  	[sflag:s17] =	ssyncadd.s32 $0xFFFFC000  }
0x4f: {  	_ =	swait.ge [sflag:s20], $0x4000  }
0x50: {  	[sflag:s20] =	ssyncset.done $0x0  }
0x51: {  	s22 =	sadd.s32 $0x1, s22;
	[sflag:s20] =	ssyncadd.s32 $0xFFFFC000  }
0x52: {  	[hbm4b:s9+s2] =	stream.linear.scatter [tilespmem:s16], [sflag:$0x4], $0x4000, $0x38;
	[tilespmem:$0x9400] =	vst v63  }
0x53: {  	p0 =	sne.s32 s22, s5;
	_ =	swait.ge [sflag:s19], $0x4000  }
.Ltmp1:
0x54: {  	[sflag:s19] =	ssyncset.done $0x0;
	(pc) =	sbr.rel @p0 .LBB2_1-.Ltmp1, $4  }
0x55: {  	[sflag:s19] =	ssyncadd.s32 $0xFFFFC000  }
0x56: {  	_ =	swait.ge [sflag:s20], $0x4000  }
0x57: {  	[sflag:s20] =	ssyncset.done $0x0  }
0x58: {  	[sflag:s20] =	ssyncadd.s32 $0xFFFFC000  }
0x59: {  	_ =	sfence.sel $0x180000  }
0x5a: {  	[bflag:$0x0] =	sbarrier.arrive $0xFFFF  }
0x5b: {  	p0 =	sne.s32 s1, $0x0;
	_ =	strace $0x90000047  }
0x5c: {  	s0 =	sadd.s32 @!p0 $0x100000, s0;
	[bflag:$0x2] =	sbarrier.arrive $0xFFFF  }
0x5d: {  	[sflag:s0] =	ssyncadd.tile.s32 @!p0 $0x1;
	_ =	shalt  }
.Lfunc_end2:
_tile_overlayer_lowered:
.L_overlay_start_2:
0x5e: {  	(tag) =	ssettag $0x2  }
0x5f: {  	s0 =	rddreg [dreg:$0x0];
	s2 =	stileid.u32  }
0x60: {  	s1 =	rddreg [dreg:$0x1];
	p0 =	sne.s32 s2, $0x0  }
0x61: {  	s3 =	rddreg [dreg:$0x2];
	[bflag:$0x3] =	sbarrier.arrive $0xFFFF;
	s2 =	simm.s32 @!p0 $0x1C05  }
0x62: {  	[timem:s3], [sflag:s2] =	dma.local @!p0 [hbm:s0], s1  }
0x63: {  	s0 =	simm.s32 @!p0 $0x5  }
0x64: {  	_ =	swait.ge @!p0 [sflag:s0], s1  }
0x65: {  	s1 =	ssub.s32 @!p0 $0x0, s1;
	[sflag:s0] =	ssyncset.done @!p0 $0x0  }
0x66: {  	[sflag:s0] =	ssyncadd.s32 @!p0 s1  }
0x67: {  	[bflag:$0x3] =	sbarrier.arrive $0xFFFF  }
0x68: {  	_ =	shalt  }

// kernel: kernel.9.cloned.1.call-start
scs
__scs_entry_jumppad:
0x0: {  	(pc) =	sbr.rel $0x88, $3  }
0x1: {  	(tag) =	ssettag $0x0;
	lr =	simm.s32 $0x1  }
0x2: {  	[smem:$0x3F99] =	sst lr;
	_ =	strace $0xD0000000  }
0x3: {  	_ = 	snop  }
0x4: {  	_ = 	snop  }
0x5: {  	_ = 	snop  }
0x6: {  	_ = 	snop  }
0x7: {  	_ = 	snop  }
__scs_overlays_trampoline_lowered:
0x8: {  	[smem:$0x3FA8] =	sst s0  }
0x9: {  	[smem:$0x3FA9] =	sst s1  }
0xa: {  	[smem:$0x3FAA] =	sst s2  }
0xb: {  	[smem:$0x3FAB] =	sst s3  }
0xc: {  	[smem:$0x3FAC] =	sst s4  }
0xd: {  	[smem:$0x3FAD] =	sst s5  }
0xe: {  	[smem:$0x3FAE] =	sst s6  }
0xf: {  	[smem:$0x3FAF] =	sst s7  }
0x10: {  	[smem:$0x3FB0] =	sst s8  }
0x11: {  	[smem:$0x3FB1] =	sst s9;
	s0 =	simm.s32 @!p0 $0x0  }
0x12: {  	s1 =	sld [smem:$0x3F97];
	s0 =	simm.s32 @p0 $0x1  }
0x13: {  	[smem:$0x3FB2] =	sst s0;
	s0 =	simm.s32 @!p1 $0x0  }
0x14: {  	s2 =	sld [smem:$0x3F96];
	s0 =	simm.s32 @p1 $0x1  }
0x15: {  	[smem:$0x3FB3] =	sst s0;
	s0 =	simm.s32 @!p2 $0x0  }
0x16: {  	s3 =	sld [smem:$0x3FDB];
	s0 =	simm.s32 @p2 $0x1  }
0x17: {  	s4 =	simm.s32 $0x1BF5;
	[smem:$0x3FB5] =	sst s0  }
0x18: {  	s0 =	sld [smem:$0x3F98];
	_ =	swait.ge [sflag:s4], $0x0  }
0x19: {  	s7 =	sld [smem:$0x3F99]  }
0x1a: {  	s8 =	sadd.s32 $0xFFFFE003, lr  }
0x1b: {  	s9 =	sadd.s32 $0xFFFFFEF7, lr;
	s5 =	simm.s32 $0xFFFFFFFF;
	p2 =	slt.u32 s8, $0xFFFFF086  }
0x1c: {  	p1 =	slt.u32 s9, $0xF7A;
	s5 =	simm.s32 @!p2 $0x0  }
0x1d: {  	s5 =	simm.s32 @p1 $0x1;
	p0 =	seq.s32 s7, s2  }
0x1e: {  	s7 =	smul.u32 @!p0 $0xF7A, s2;
	p2 =	seq.s32 @!p0 s5, $0x0  }
0x1f: {  	s9 =	smul.u32 $0xF7A, s1;
	s8 =	simm.s32 @!p0 $0x1BF5;
	p2 =	por !p2, p0  }
0x20: {  	[sflag:s8] =	ssyncset.s32 @!p0 $0xFFFFF086;
	s6 =	sadd.s32 @!p0 s3, s7;
	s7 =	simm.s32 @!p0 $0x108  }
0x21: {  	s3 =	sadd.s32 s3, s9;
	s6 =	sadd.s32 @!p0 $0x88, s6;
	s7 =	simm.s32 @p2 $0x1082  }
0x22: {  	[simem:s7], [sflag:s8] =	dma.local @!p0 [hbm:s6], $0xF7A  }
0x23: {  	s9 =	sor.u32 $0xD0000000, s2;
	s6 =	simm.s32 $0x108;
	_ =	swait.ge @!p0 [sflag:s8], $0x0  }
0x24: {  	s3 =	sadd.s32 $0x88, s3;
	s6 =	simm.s32 @!p1 $0x1082;
	[sflag:s4] =	ssyncset.s32 $0xFFFFF086  }
0x25: {  	[simem:s6], [sflag:s4] =	dma.local [hbm:s3], $0xF7A  }
0x26: {  	[smem:$0x3F99] =	sst s1;
	(tag) =	ssettag s2;
	_ =	strace s9  }
0x27: {  	s1 =	sld [smem:$0x3FA9]  }
0x28: {  	s2 =	sld [smem:$0x3FAA]  }
0x29: {  	s4 =	sld [smem:$0x3FAC]  }
0x2a: {  	p0 =	seq.s32 s5, $0x0;
	s5 =	sld [smem:$0x3FAD]  }
0x2b: {  	s6 =	sld [smem:$0x3FAE]  }
0x2c: {  	s7 =	sld [smem:$0x3FAF]  }
0x2d: {  	s3 =	simm.s32 $0x108;
	s8 =	sld [smem:$0x3FB0]  }
0x2e: {  	s3 =	simm.s32 @!p0 $0x1082;
	s9 =	sld [smem:$0x3FB1]  }
0x2f: {  	lr =	sadd.s32 s0, s3;
	s0 =	sld [smem:$0x3FA8]  }
0x30: {  	s3 =	sld [smem:$0x3FAB]  }
0x31: {  	[smem:$0x3FB4] =	sst s10  }
0x32: {  	s10 =	sld [smem:$0x3FB2];
	_ =	sdelay $0x3  }
0x33: {  	p0 =	seq.s32 s10, $0x1;
	s10 =	sld [smem:$0x3FB4];
	_ =	sdelay $0x3  }
0x34: {  	[smem:$0x3FB4] =	sst s10  }
0x35: {  	s10 =	sld [smem:$0x3FB3];
	_ =	sdelay $0x3  }
0x36: {  	p1 =	seq.s32 s10, $0x1;
	s10 =	sld [smem:$0x3FB4];
	_ =	sdelay $0x3  }
0x37: {  	[smem:$0x3FB4] =	sst s10  }
0x38: {  	s10 =	sld [smem:$0x3FB5]  }
0x39: {  	_ = 	snop;
	(pc) =	sbr.ind lr, $3  }
0x3a: {  	_ = 	snop  }
0x3b: {  	_ = 	snop  }
0x3c: {  	p2 =	seq.s32 s10, $0x1;
	s10 =	sld [smem:$0x3FB4]  }
0x3d: {  	_ =	shalt  }
0x3e: {  	_ =	shalt  }
0x3f: {  	_ =	shalt  }
0x40: {  	_ =	shalt  }
0x41: {  	_ =	shalt  }
0x42: {  	_ =	shalt  }
0x43: {  	_ =	shalt  }
0x44: {  	_ =	shalt  }
0x45: {  	_ =	shalt  }
0x46: {  	_ =	shalt  }
0x47: {  	_ =	shalt  }
0x48: {  	_ =	shalt  }
0x49: {  	_ =	shalt  }
0x4a: {  	_ =	shalt  }
0x4b: {  	_ =	shalt  }
0x4c: {  	_ =	shalt  }
0x4d: {  	_ =	shalt  }
0x4e: {  	_ =	shalt  }
0x4f: {  	_ =	shalt  }
0x50: {  	_ =	shalt  }
0x51: {  	_ =	shalt  }
0x52: {  	_ =	shalt  }
0x53: {  	_ =	shalt  }
0x54: {  	_ =	shalt  }
0x55: {  	_ =	shalt  }
0x56: {  	_ =	shalt  }
0x57: {  	_ =	shalt  }
0x58: {  	_ =	shalt  }
0x59: {  	_ =	shalt  }
0x5a: {  	_ =	shalt  }
0x5b: {  	_ =	shalt  }
0x5c: {  	_ =	shalt  }
0x5d: {  	_ =	shalt  }
0x5e: {  	_ =	shalt  }
0x5f: {  	_ =	shalt  }
0x60: {  	_ =	shalt  }
0x61: {  	_ =	shalt  }
0x62: {  	_ =	shalt  }
0x63: {  	_ =	shalt  }
0x64: {  	_ =	shalt  }
0x65: {  	_ =	shalt  }
0x66: {  	_ =	shalt  }
0x67: {  	_ =	shalt  }
0x68: {  	_ =	shalt  }
0x69: {  	_ =	shalt  }
0x6a: {  	_ =	shalt  }
0x6b: {  	_ =	shalt  }
0x6c: {  	_ =	shalt  }
0x6d: {  	_ =	shalt  }
0x6e: {  	_ =	shalt  }
0x6f: {  	_ =	shalt  }
0x70: {  	_ =	shalt  }
0x71: {  	_ =	shalt  }
0x72: {  	_ =	shalt  }
0x73: {  	_ =	shalt  }
0x74: {  	_ =	shalt  }
0x75: {  	_ =	shalt  }
0x76: {  	_ =	shalt  }
0x77: {  	_ =	shalt  }
0x78: {  	_ =	shalt  }
0x79: {  	_ =	shalt  }
0x7a: {  	_ =	shalt  }
0x7b: {  	_ =	shalt  }
0x7c: {  	_ =	shalt  }
0x7d: {  	_ =	shalt  }
0x7e: {  	_ =	shalt  }
0x7f: {  	_ =	shalt  }
0x80: {  	_ =	shalt  }
0x81: {  	_ =	shalt  }
0x82: {  	_ =	shalt  }
0x83: {  	_ =	shalt  }
0x84: {  	_ =	shalt  }
0x85: {  	_ =	shalt  }
0x86: {  	_ =	shalt  }
0x87: {  	_ =	shalt  }
.Lfunc_end0:
.L_simem_size_0:
called_computation.1_lowered:
.L_overlay_start_0:
0x88: {  	s2 =	sld [smem:$0x3FD9]  }
0x89: {  	s3 =	sld [smem:$0x3FFE];
	_ =	sdelay $0x1  }
0x8a: {  	s1 =	srdreg.scid  }
0x8b: {  	s0 =	sand.u32 $0x1, s1  }
0x8c: {  	s16 =	sshll.u32 s0, $0xA;
	s2 =	sadd.s32 s3, s2  }
0x8d: {  	s2 =	sadd.s32 s2, s16  }
0x8e: {  	[smem:$0x3FC0] =	sst s2  }
0x8f: {  	_ = 	snop  }
0x90: {  	(tm) =	ssettm $0x1  }
0x91: {  	s17 =	sld [smem:$0x3FFB];
	_ =	sdelay $0x3  }
0x92: {  	_ =	strace s17  }
0x93: {  	s2 =	sld [smem:$0x3FFC];
	_ =	sdelay $0x3  }
0x94: {  	_ =	strace s2  }
0x95: {  	s2 =	sld [smem:$0x3FFD];
	_ =	sdelay $0x3  }
0x96: {  	_ =	strace s2  }
0x97: {  	_ =	strace $0x8FFFFFFF  }
0x98: {  	s18 =	sld [smem:$0x3FDB];
	_ =	sdelay $0x1  }
0x99: {  	s19 =	simm.s32 $_scs_section_size  }
0x9a: {  	s4 =	simm.s32 $_size__tile_overlayer_lowered;
	s5 =	simm.s32 $_tile_overlayer_lowered  }
0x9b: {  	s22 =	simm.s32 $0x1BFF;
	s21 =	sshll.u32 s5, $0x1;
	s2 =	sadd.s32 s19, s18  }
0x9c: {  	s6 =	simm.s32 $0x0;
	s20 =	sshll.u32 s4, $0x1;
	s4 =	sadd.s32 s21, s2  }
0x9d: {  	[timem:s6], [sflag:s22] =	dma.local [hbm:s4], s20  }
0x9e: {  	_ =	swait.ge [sflag:s22], s20  }
0x9f: {  	s3 =	ssub.s32 $0x0, s20;
	[sflag:s22] =	ssyncset.done $0x0  }
0xa0: {  	[sflag:s22] =	ssyncadd.s32 s3;
	_ =	sdelay $0x1  }
0xa1: {  	s23 =	simm.s32 $0x1B8B  }
0xa2: {  	_ =	swait.ge [sflag:s23], $0x1  }
0xa3: {  	[sflag:s23] =	ssyncset.done $0x0  }
0xa4: {  	s25 =	simm.s32 $0x1B8E;
	s24 =	sld [smem:$0x3FFE];
	[sflag:s23] =	ssyncadd.s32 $0xFFFFFFFF  }
0xa5: {  	s26 =	simm.s32 $execute0_lowered;
	[smem:$0x3FD2] =	sst s25  }
0xa6: {  	s4 =	sshll.u32 s26, $0x1;
	_ =	strace $0x80000049;
	[dreg:$0x1] =	wrdreg $0xFFFFFFFF  }
0xa7: {  	s28 =	simm.s32 $_size_execute0_lowered;
	s2 =	sadd.s32 s2, s4;
	[dreg:$0x0] =	wrdreg $0x0  }
0xa8: {  	s4 =	sshll.u32 s28, $0x1;
	[dreg:$0x2] =	wrdreg s2  }
0xa9: {  	[dreg:$0x3] =	wrdreg s4  }
0xaa: {  	[dreg:$0x4] =	wrdreg $0xC0  }
0xab: {  	_ =	task [dreg:s6], $0x5FFFF  }
0xac: {  	[dreg:$0x1] =	wrdreg $0xFFFFFFFF  }
0xad: {  	[dreg:$0x0] =	wrdreg $0x60  }
0xae: {  	[dreg:$0x2] =	wrdreg s24  }
0xaf: {  	[dreg:$0x3] =	wrdreg $0x0  }
0xb0: {  	[dreg:$0x4] =	wrdreg $0x9  }
0xb1: {  	_ =	task.clear_ibuf [dreg:s6], $0x5FFFF;
	_ =	strace $0x90000049  }
0xb2: {  	s29 =	simm.s32 $0x9;
	_ =	strace $0x8000004B  }
0xb3: {  	_ =	swait.ge [sflag:s29], $0x1  }
0xb4: {  	[sflag:s29] =	ssyncadd.s32 $0xFFFFFFFF  }
0xb5: {  	_ =	strace $0x9000004B  }
0xb6: {  	_ =	sfence  }
0xb7: {  	s30 =	sld [smem:$0x0];
	_ =	sdelay $0x2  }
0xb8: {  	s31 =	sshll.u32 s1, $0xD;
	s1 =	sshrl.u32 s1, $0x2  }
0xb9: {  	s3 =	sand.u32 $0x4000, s31;
	s1 =	sadd.s32 s1, s30  }
0xba: {  	s0 =	sor.u32 s3, s0;
	s1 =	sshll.u32 s1, $0x11  }
0xbb: {  	s0 =	sor.u32 s1, s0  }
0xbc: {  	s0 =	sadd.s32 $0x8F2B, s0  }
0xbd: {  	[sflag:s0] =	ssyncadd.remote.s32 $0x1  }
0xbe: {  	_ =	sfence.sel $0xFFFF  }
0xbf: {  	[dreg:$0x0] =	wrdreg $0xFFFFFFFF;
	(pc) =	sbr.abs _section_cstart, $3  }
0xc0: {  	[dreg:$0x1] =	wrdreg $0xFFFFFFFF  }
0xc1: {  	_ =	task.clear_ibuf [dreg:s6], $0x2FFFF;
	_ =	strace $0x9FFFFFFF  }
0xc2: {  	(tm) =	ssettm $0x7FFFFFFF  }
0xc3: {  	_ =	shalt  }
tec
execute0_lowered:
.L_overlay_start_1:
0x0: {  	(tag) =	ssettag $0x1  }
0x1: {  	s0 =	srdreg.scid  }
0x2: {  	s5 =	rddreg [dreg:$0x0];
	s4 =	sand.u32 $0x1, s0  }
0x3: {  	s0 =	stileid.u32;
	s6 =	smul.u32 $0x140000, s4  }
0x4: {  	s2 =	rddreg [dreg:$0x1];
	s3 =	simm.s32 $0x0;
	s8 =	smul.u32 $0x13C00, s0  }
0x5: {  	s13 =	simm.s32 $0x15000;
	s14 =	simm.s32 $0x80;
	s9 =	smul.u32 $0x13C000, s4  }
0x6: {  	s15 =	simm.s32 $0x0;
	[smem:$0x7FF] =	sst s3;
	s26 =	smul.u32 $0x4F000, s0  }
0x7: {  	s1 =	sshll.u32 s4, $0x4;
	s4 =	ssub.s32 $0x2, s4;
	s30 =	smul.u32 $0x14000, s0  }
0x8: {  	s31 =	sshll.u32 s0, $0x6;
	s1 =	sor.u32 s0, s1;
	s28 =	sshrl.u32 s4, $0x1  }
0x9: {  	s7 =	smul.u32 $0x1400, s1;
	s1 =	rddreg [dreg:$0x2];
	_ =	strace $0x8000004A  }
0xa: {  	s10 =	sadd.s32 s6, s5;
	s25 =	sshrl.u32 s8, $0x3;
	s8 =	sadd.s32 s8, s9  }
0xb: {  	s11 =	ssub.s32 s4, s28;
	s29 =	sshrl.u32 s26, $0x2;
	s8 =	sshrl.u32 s8, $0x3  }
0xc: {  	s12 =	sadd.s32 s29, s2;
	s9 =	sadd.s32 s30, s10;
	s24 =	sshrl.u32 s7, $0x3  }
0xd: {  	s7 =	sadd.s32 s25, s5;
	s8 =	sadd.s32 s8, s5;
	s9 =	sadd.s32 $0xA1FA00, s9  }
0xe: {  	s10 =	sshrl.u32 s12, $0x3;
	s12 =	simm.s32 $0x13C00;
	s6 =	sadd.s32 s24, s5  }
0xf: {  	s4 =	sadd.s32 $0x2800, s7;
	s5 =	sor.u32 $0x1C01, s31;
	s7 =	sadd.s32 $0x2A000, s8  }
0x10: {  	s8 =	smax.u32 s11, $0x1;
	s11 =	simm.s32 $0x1;
	s6 =	sadd.s32 $0x2AEA00, s6  }
.LBB2_1:
0x11: {  	[spmem:s10], [sflag:s5] =	dma.local [hbm:s4], $0x2780  }
0x12: {  	_ =	swait.ge [sflag:s11], $0x2780  }
0x13: {  	[sflag:s11] =	ssyncset.done $0x0  }
0x14: {  	[sflag:s11] =	ssyncadd.s32 $0xFFFFD880  }
0x15: {  	[tilespmem:s12], [sflag:$0x1] =	stream.linear.gather [hbm4b:s6+s3], $0x1400, $0x38;
	[tilespmem:$0x19000] =	vst v63  }
0x16: {  	_ =	swait.ge [sflag:s11], $0x1400  }
0x17: {  	[sflag:s11] =	ssyncset.done $0x0  }
0x18: {  	[sflag:s11] =	ssyncadd.s32 $0xFFFFEC00  }
0x19: {  	[bflag:$0x0] =	sbarrier.arrive $0xFFFF  }
0x1a: {  	[tilespmem:s13], [sflag:$0x1] =	stream.linear.gather [hbm4b:s9+s3], $0x4000, $0x38;
	[tilespmem:$0x19000] =	vst v63  }
0x1b: {  	_ =	swait.ge [sflag:s11], $0x4000  }
0x1c: {  	[sflag:s11] =	ssyncset.done $0x0  }
0x1d: {  	s16 =	simm.s32 $0x13C00;
	[sflag:s11] =	ssyncadd.s32 $0xFFFFC000  }
0x1e: {  	[spmem:s2] =	stream.indirect.scatter.add.f32 [tilespmem:s13], [sflag:$0x1], $0x80, s16, s14, $0xb8;
	[tilespmem:$0x19000] =	vst v63  }
0x1f: {  	_ =	swait.ge [sflag:s11], $0x4000  }
0x20: {  	s17 =	smov.u32 s9;
	s16 =	simm.s32 $0x200;
	[sflag:s11] =	ssyncset.done $0x0  }
.LBB2_2:
0x21: {  	p0 =	sne.s32 s16, $0x4E00;
	[sflag:s11] =	ssyncadd.s32 $0xFFFFC000;
	s17 =	sadd.s32 $0x800, s17  }
0x22: {  	[tilespmem:s13], [sflag:$0x1] =	stream.linear.gather [hbm4b:s17+s3], $0x4000, $0x38;
	[tilespmem:$0x19000] =	vst v63  }
0x23: {  	s18 =	smov.u32 s16;
	s16 =	sadd.s32 $0x200, s16;
	_ =	swait.ge [sflag:s11], $0x4000  }
.Ltmp0:
0x24: {  	s18 =	sshra.s32 s18, $0x2;
	[sflag:s11] =	ssyncset.done $0x0;
	(pc) =	sbr.rel @p0 .LBB2_2-.Ltmp0, $4  }
0x25: {  	s18 =	sadd.s32 $0x13C00, s18;
	[sflag:s11] =	ssyncadd.s32 $0xFFFFC000  }
0x26: {  	[spmem:s2] =	stream.indirect.scatter.add.f32 [tilespmem:s13], [sflag:$0x1], $0x80, s18, s14, $0xb8;
	[tilespmem:$0x19000] =	vst v63  }
0x27: {  	_ =	swait.ge [sflag:s11], $0x4000  }
0x28: {  	[sflag:s11] =	ssyncset.done $0x0  }
0x29: {  	s15 =	sadd.s32 $0x1, s15  }
0x2a: {  	[sflag:s11] =	ssyncadd.s32 $0xFFFFC000;
	p0 =	sne.s32 s15, s8  }
.Ltmp1:
0x2b: {  	[bflag:$0x0] =	sbarrier.arrive $0xFFFF;
	(pc) =	sbr.rel @p0 .LBB2_1-.Ltmp1, $4  }
0x2c: {  	[hbm:s7], [sflag:s5] =	dma.local [spmem:s10], $0x2780  }
0x2d: {  	_ =	swait.ge [sflag:s11], $0x2780  }
0x2e: {  	[sflag:s11] =	ssyncset.done $0x0  }
0x2f: {  	[sflag:s11] =	ssyncadd.s32 $0xFFFFD880  }
0x30: {  	_ =	sfence.sel $0x180000  }
0x31: {  	[bflag:$0x0] =	sbarrier.arrive $0xFFFF  }
0x32: {  	p0 =	sne.s32 s0, $0x0;
	_ =	strace $0x9000004A  }
0x33: {  	s0 =	sadd.s32 @!p0 $0x100000, s1;
	[bflag:$0x2] =	sbarrier.arrive $0xFFFF  }
0x34: {  	[sflag:s0] =	ssyncadd.tile.s32 @!p0 $0x1;
	_ =	shalt  }
.Lfunc_end2:
_tile_overlayer_lowered:
.L_overlay_start_2:
0x35: {  	(tag) =	ssettag $0x2  }
0x36: {  	s0 =	rddreg [dreg:$0x0];
	s2 =	stileid.u32  }
0x37: {  	s1 =	rddreg [dreg:$0x1];
	p0 =	sne.s32 s2, $0x0  }
0x38: {  	s3 =	rddreg [dreg:$0x2];
	[bflag:$0x3] =	sbarrier.arrive $0xFFFF;
	s2 =	simm.s32 @!p0 $0x1C01  }
0x39: {  	[timem:s3], [sflag:s2] =	dma.local @!p0 [hbm:s0], s1  }
0x3a: {  	s0 =	simm.s32 @!p0 $0x1  }
0x3b: {  	_ =	swait.ge @!p0 [sflag:s0], s1  }
0x3c: {  	s1 =	ssub.s32 @!p0 $0x0, s1;
	[sflag:s0] =	ssyncset.done @!p0 $0x0  }
0x3d: {  	[sflag:s0] =	ssyncadd.s32 @!p0 s1  }
0x3e: {  	[bflag:$0x3] =	sbarrier.arrive $0xFFFF  }
0x3f: {  	_ =	shalt  }

</sc_bundles>
